<compile_context>
chip_gen: v7x
topology: tpu7x:2x2x1
jax: 0.10.2.dev20260603
libtpu: 0.0.44.dev20260713+nightly
codegen_flags: <defaults>
</compile_context>

<pallas_src>
import jax
import jax.numpy as jnp
from jax import lax
from jax.experimental import pallas as pl
from jax.experimental.pallas import tpu as pltpu
from jax.experimental.pallas import tpu_sc as plsc

_N = 16384
_D = 256
_INV_T = 10.0
_K_TOP = 6553
_K_BOT = 9832

_NW = 32
_AP = 6656
_WROWS = _AP // _NW

_R = 1664
_C = 1024
_NR = _AP // _R
_NC = _N // _C

_C1 = 14.426950408889634


def _cast_scale_body(x_ref, o_ref):
    o_ref[...] = (x_ref[...] * _C1).astype(jnp.bfloat16)


def _cast_body(x_ref, o_ref):
    o_ref[...] = x_ref[...].astype(jnp.bfloat16)


def _thresh_body(s_ref, out_ref):
    bits = lax.bitcast_convert_type(s_ref[...], jnp.int32)

    def step(_, carry):
        lo1, hi1, lo2, hi2 = carry

        def upd(lo, hi, k):
            mid = (lo + hi + 1) >> 1
            cnt = jnp.sum((bits >= mid).astype(jnp.int32))
            take = cnt >= k
            return jnp.where(take, mid, lo), jnp.where(take, hi, mid - 1)

        lo1, hi1 = upd(lo1, hi1, _K_TOP)
        lo2, hi2 = upd(lo2, hi2, _K_BOT)
        return lo1, hi1, lo2, hi2

    lo1, _, lo2, _ = lax.fori_loop(
        0, 30, step, (0, 0x3F800000, 0, 0x3F800000))
    out_ref[0] = lax.bitcast_convert_type(lo1, jnp.float32)
    out_ref[1] = lax.bitcast_convert_type(lo2, jnp.float32)


def _sc_body(proj_hbm, scores_hbm, th_hbm, anchors_hbm, cnt_hbm,
             s_v, th_v, idx_v, rows_a, rows_b, cnt_v, sem_a, sem_b):
    wid = lax.axis_index("s") * 2 + lax.axis_index("c")
    base = wid * _WROWS

    pltpu.sync_copy(scores_hbm, s_v)
    pltpu.sync_copy(th_hbm, th_v)
    lane = lax.iota(jnp.int32, 16)
    t_bot = th_v[...][1]

    zero16 = jnp.zeros((16,), jnp.int32)
    for k in range(_WROWS // 16):
        idx_v[pl.ds(base + k * 16, 16)] = zero16

    def body(it, off):
        s = s_v[pl.ds(it * 16, 16)]
        sel = s <= t_bot
        idxvec = lane + it * 16
        plsc.store_compressed(idx_v.at[pl.ds(off, 16)], idxvec, mask=sel)
        return off + jnp.sum(jnp.where(sel, 1, 0))

    total = lax.fori_loop(0, _N // 16, body, 0)

    @pl.when(wid == 0)
    def _write_count():
        cnt_v[...] = zero16 + total
        pltpu.sync_copy(cnt_v, cnt_hbm)

    h = _WROWS // 2
    cp_a = pltpu.async_copy(
        proj_hbm.at[idx_v.at[pl.ds(base, h)]], rows_a, sem_a)
    cp_b = pltpu.async_copy(
        proj_hbm.at[idx_v.at[pl.ds(base + h, h)]], rows_b, sem_b)
    cp_a.wait()
    pltpu.sync_copy(rows_a, anchors_hbm.at[pl.ds(base, h)])
    cp_b.wait()
    pltpu.sync_copy(rows_b, anchors_hbm.at[pl.ds(base + h, h)])


def _main_body(th_ref, a_ref, b_ref, scol_ref, out_ref):
    j = pl.program_id(1)
    t_top = th_ref[0]

    s = lax.dot_general(a_ref[...], b_ref[...], (((1,), (1,)), ((), ())),
                        preferred_element_type=jnp.float32)
    e = jnp.exp2(s - _C1).astype(jnp.bfloat16)
    m = (scol_ref[0, 0] >= t_top).astype(jnp.float32)
    red = jnp.concatenate(
        [m[:, None], jnp.ones((_C, 1), jnp.float32)], axis=1)
    p = lax.dot_general(e, red.astype(jnp.bfloat16),
                        (((1,), (0,)), ((), ())),
                        preferred_element_type=jnp.float32)
    out_ref[...] = jnp.where(j == 0, p, out_ref[...] + p)


def _fin_body(cnt_ref, acc_ref, a_ref, out_ref):
    cnt = jnp.minimum(cnt_ref[0], _AP)
    a32 = a_ref[...]
    rn = jnp.sum(a32 * a32, axis=1, keepdims=True) * _INV_T
    self_e = jnp.exp(rn - _INV_T)
    accn = acc_ref[:, 0:1]
    accd = acc_ref[:, 1:2] - self_e
    row_ids = lax.broadcasted_iota(jnp.int32, (_AP, 1), 0)
    rm = (row_ids < cnt).astype(jnp.float32)
    vals = (jnp.log(accd) - jnp.log(accn)) * rm
    out_ref[0] = jnp.sum(vals) / cnt.astype(jnp.float32)


_sc_gather = pl.kernel(
    _sc_body,
    out_type=[
        jax.ShapeDtypeStruct((_AP, _D), jnp.float32),
        jax.ShapeDtypeStruct((16,), jnp.int32),
    ],
    mesh=plsc.VectorSubcoreMesh(core_axis_name="c", subcore_axis_name="s",
                                num_cores=2, num_subcores=16),
    scratch_types=[
        pltpu.VMEM((_N,), jnp.float32),
        pltpu.VMEM((16,), jnp.float32),
        pltpu.VMEM((_AP + 16,), jnp.int32),
        pltpu.VMEM((_WROWS // 2, _D), jnp.float32),
        pltpu.VMEM((_WROWS // 2, _D), jnp.float32),
        pltpu.VMEM((16,), jnp.int32),
        pltpu.SemaphoreType.DMA,
        pltpu.SemaphoreType.DMA,
    ],
    compiler_params=pltpu.CompilerParams(needs_layout_passes=False),
)


@jax.jit
def kernel(projections, scores):
    th = pl.pallas_call(
        _thresh_body,
        out_specs=pl.BlockSpec(memory_space=pltpu.SMEM),
        out_shape=jax.ShapeDtypeStruct((2,), jnp.float32),
    )(scores.reshape(128, 128))

    anchors, cnt = _sc_gather(projections, scores, jnp.pad(th, (0, 14)))

    pb16 = pl.pallas_call(
        _cast_body,
        grid=(8,),
        in_specs=[pl.BlockSpec((_N // 8, _D), lambda i: (i, 0))],
        out_specs=pl.BlockSpec((_N // 8, _D), lambda i: (i, 0)),
        out_shape=jax.ShapeDtypeStruct((_N, _D), jnp.bfloat16),
    )(projections)

    ab16 = pl.pallas_call(
        _cast_scale_body,
        grid=(8,),
        in_specs=[pl.BlockSpec((_AP // 8, _D), lambda i: (i, 0))],
        out_specs=pl.BlockSpec((_AP // 8, _D), lambda i: (i, 0)),
        out_shape=jax.ShapeDtypeStruct((_AP, _D), jnp.bfloat16),
    )(anchors)

    acc = pl.pallas_call(
        _main_body,
        grid=(_NR, _NC),
        in_specs=[
            pl.BlockSpec(memory_space=pltpu.SMEM),
            pl.BlockSpec((_R, _D), lambda i, j: (i, 0)),
            pl.BlockSpec((_C, _D), lambda i, j: (j, 0)),
            pl.BlockSpec((1, 1, _C), lambda i, j: (j, 0, 0)),
        ],
        out_specs=pl.BlockSpec((_R, 2), lambda i, j: (i, 0)),
        out_shape=jax.ShapeDtypeStruct((_AP, 2), jnp.float32),
        compiler_params=pltpu.CompilerParams(
            dimension_semantics=("arbitrary", "arbitrary")),
    )(
        th,
        ab16,
        pb16,
        scores.reshape(_NC, 1, _C),
    )

    loss = pl.pallas_call(
        _fin_body,
        in_specs=[
            pl.BlockSpec(memory_space=pltpu.SMEM),
            pl.BlockSpec((_AP, 2), lambda: (0, 0)),
            pl.BlockSpec((_AP, _D), lambda: (0, 0)),
        ],
        out_specs=pl.BlockSpec(memory_space=pltpu.SMEM),
        out_shape=jax.ShapeDtypeStruct((1,), jnp.float32),
    )(cnt, acc, anchors)
    return loss[0]

# --- scband reference (transcript-rebuilt; emitter-appended) ---
"""Pipeline reference for scband-adaptive-score-contrastive-loss-2654289789703 (READ-ONLY COPY).

The authoritative reference and input builder live on the scoring server;
editing this copy changes nothing except your own understanding.
"""

import jax, jax.numpy as jnp
import numpy as np

N = 16384
D = 256
TEMPERATURE = 0.1
TOP_K_PERCENT = 0.4
BOTTOM_K_PERCENT = 0.4
MIN_SAMPLES = 2


def setup_inputs(seed: int = 0) -> dict:
    key = jax.random.key(seed)
    k1, k2 = jax.random.split(key)
    projections = jax.random.normal(k1, (N, D), dtype=jnp.float32)
    # module docstring: projections are L2-normalized
    projections = projections / jnp.linalg.norm(projections, axis=1, keepdims=True)
    scores = jax.random.uniform(k2, (N,), dtype=jnp.float32)
    return {"projections": projections, "scores": scores}


def reference(projections, scores):
    n = projections.shape[0]
    if n < MIN_SAMPLES * 2:
        return jnp.asarray(0.0, dtype=projections.dtype)
    # descending argsort of scores
    sorted_indices = jnp.argsort(-scores)
    n_top = max(MIN_SAMPLES, int(n * TOP_K_PERCENT))
    n_bottom = max(MIN_SAMPLES, int(n * BOTTOM_K_PERCENT))
    if n_top + n_bottom > n:
        n_top = n // 2
        n_bottom = n - n_top
    top_indices = sorted_indices[:n_top]
    bottom_indices = sorted_indices[-n_bottom:]
    positive_feats = jnp.take(projections, top_indices, axis=0)
    anchor_feats = jnp.take(projections, bottom_indices, axis=0)
    sim_anchor_to_pos = jnp.matmul(anchor_feats, positive_feats.T) / TEMPERATURE
    sim_anchor_to_all = jnp.matmul(anchor_feats, projections.T) / TEMPERATURE
    # mask self-similarity: sim_anchor_to_all[i, bottom_indices[i]] = -inf
    sim_anchor_to_all = sim_anchor_to_all.at[
        (jnp.arange(n_bottom), bottom_indices)
    ].set(-jnp.inf)
    numerator = jax.nn.logsumexp(sim_anchor_to_pos, axis=1)
    denominator = jax.nn.logsumexp(sim_anchor_to_all, axis=1)
    loss = -(numerator - denominator).mean()
    return loss

if __name__ == "__main__":
    import jax
    _d = setup_inputs()
    print(jax.jit(kernel)(*tuple(_d.values())))

</pallas_src>

<mosaic_0001>
#map = affine_map<(d0, d1) -> (0, 0)>
#map1 = affine_map<(d0, d1) -> (0)>
module attributes {stable_mosaic.version = 14 : i64} {
  func.func @_sc_body(%arg0: i32, %arg1: i32, %arg2: memref<16384x256xf32, #tpu.memory_space<hbm>>, %arg3: memref<16384xf32, #tpu.memory_space<hbm>>, %arg4: memref<16xf32, #tpu.memory_space<hbm>>, %arg5: memref<6656x256xf32, #tpu.memory_space<hbm>>, %arg6: memref<16xi32, #tpu.memory_space<hbm>>, %arg7: memref<16384xf32, #tpu.memory_space<vmem>>, %arg8: memref<16xf32, #tpu.memory_space<vmem>>, %arg9: memref<6672xi32, #tpu.memory_space<vmem>>, %arg10: memref<104x256xf32, #tpu.memory_space<vmem>>, %arg11: memref<104x256xf32, #tpu.memory_space<vmem>>, %arg12: memref<16xi32, #tpu.memory_space<vmem>>, %arg13: memref<!tpu.dma_semaphore, #tpu.memory_space<semaphore_mem>>, %arg14: memref<!tpu.dma_semaphore, #tpu.memory_space<semaphore_mem>>) attributes {dimension_semantics = [#tpu.dimension_semantics<core_parallel>, #tpu.dimension_semantics<subcore_parallel>], iteration_bounds = array<i64: 2, 16>, scalar_prefetch = 0 : i64, scratch_operands = 8 : i64, tpu.core_type = #tpu.core_type<sc_vector_subcore>, window_params = [{transform_indices = #map}, {transform_indices = #map1}, {transform_indices = #map1}, {transform_indices = #map}, {transform_indices = #map1}]} {
    %mul3A = arith.constant 2 : i32
    %mul3A_0 = arith.muli %arg1, %mul3A : i32
    %add3A = arith.addi %mul3A_0, %arg0 : i32
    %mul3A_1 = arith.constant 208 : i32
    %mul3A_2 = arith.muli %add3A, %mul3A_1 : i32
    "tpu.region"() ({
      %run_scoped3A = tpu.sem_alloc : memref<!tpu.dma_semaphore, #tpu.memory_space<semaphore_mem>>
      tpu.enqueue_dma source(%arg3 : memref<16384xf32, #tpu.memory_space<hbm>>) target(%arg7 : memref<16384xf32, #tpu.memory_space<vmem>>) target_semaphore(%run_scoped3A : memref<!tpu.dma_semaphore, #tpu.memory_space<semaphore_mem>>)
      tpu.wait_dma2 semaphore(%run_scoped3A : memref<!tpu.dma_semaphore, #tpu.memory_space<semaphore_mem>>) src(%arg3 : memref<16384xf32, #tpu.memory_space<hbm>>) dst(%arg7 : memref<16384xf32, #tpu.memory_space<vmem>>)
      tpu.yield
    }) : () -> ()
    "tpu.region"() ({
      %run_scoped3A = tpu.sem_alloc : memref<!tpu.dma_semaphore, #tpu.memory_space<semaphore_mem>>
      tpu.enqueue_dma source(%arg4 : memref<16xf32, #tpu.memory_space<hbm>>) target(%arg8 : memref<16xf32, #tpu.memory_space<vmem>>) target_semaphore(%run_scoped3A : memref<!tpu.dma_semaphore, #tpu.memory_space<semaphore_mem>>)
      tpu.wait_dma2 semaphore(%run_scoped3A : memref<!tpu.dma_semaphore, #tpu.memory_space<semaphore_mem>>) src(%arg4 : memref<16xf32, #tpu.memory_space<hbm>>) dst(%arg8 : memref<16xf32, #tpu.memory_space<vmem>>)
      tpu.yield
    }) : () -> ()
    %iota3A = tpu.iota {dimensions = array<i32: 0>} : vector<16xi32>
    %get3A = arith.constant 0 : index
    %get3A_3 = tpu.vector_load %arg8[%get3A] {strides = array<i32>} : memref<16xf32, #tpu.memory_space<vmem>>, vector<16xf32>,
    %slice3A = vector.extract_strided_slice %get3A_3 {offsets = [1], sizes = [1], strides = [1]} : vector<16xf32> to vector<1xf32>
    %squeeze3A = vector.extract %slice3A[0] : f32 from vector<1xf32>
    %broadcast_in_dim3A = arith.constant 0 : i32
    %broadcast_in_dim3A_4 = vector.broadcast %broadcast_in_dim3A : i32 to vector<16xi32>
    %add3A_5 = arith.constant 0 : i32
    %add3A_6 = arith.addi %mul3A_2, %add3A_5 : i32
    %swap3A = arith.index_cast %add3A_6 : i32 to index
    %swap3A_7 = tpu.vector_load %arg9[%swap3A] {strides = array<i32>} : memref<6672xi32, #tpu.memory_space<vmem>>, vector<16xi32>,
    tpu.vector_store %arg9[%swap3A], %broadcast_in_dim3A_4 {strides = array<i32>} : memref<6672xi32, #tpu.memory_space<vmem>>, vector<16xi32>,
    %add3A_8 = arith.constant 16 : i32
    %add3A_9 = arith.addi %mul3A_2, %add3A_8 : i32
    %swap3A_10 = arith.index_cast %add3A_9 : i32 to index
    %swap3A_11 = tpu.vector_load %arg9[%swap3A_10] {strides = array<i32>} : memref<6672xi32, #tpu.memory_space<vmem>>, vector<16xi32>,
    tpu.vector_store %arg9[%swap3A_10], %broadcast_in_dim3A_4 {strides = array<i32>} : memref<6672xi32, #tpu.memory_space<vmem>>, vector<16xi32>,
    %add3A_12 = arith.constant 32 : i32
    %add3A_13 = arith.addi %mul3A_2, %add3A_12 : i32
    %swap3A_14 = arith.index_cast %add3A_13 : i32 to index
    %swap3A_15 = tpu.vector_load %arg9[%swap3A_14] {strides = array<i32>} : memref<6672xi32, #tpu.memory_space<vmem>>, vector<16xi32>,
    tpu.vector_store %arg9[%swap3A_14], %broadcast_in_dim3A_4 {strides = array<i32>} : memref<6672xi32, #tpu.memory_space<vmem>>, vector<16xi32>,
    %add3A_16 = arith.constant 48 : i32
    %add3A_17 = arith.addi %mul3A_2, %add3A_16 : i32
    %swap3A_18 = arith.index_cast %add3A_17 : i32 to index
    %swap3A_19 = tpu.vector_load %arg9[%swap3A_18] {strides = array<i32>} : memref<6672xi32, #tpu.memory_space<vmem>>, vector<16xi32>,
    tpu.vector_store %arg9[%swap3A_18], %broadcast_in_dim3A_4 {strides = array<i32>} : memref<6672xi32, #tpu.memory_space<vmem>>, vector<16xi32>,
    %add3A_20 = arith.constant 64 : i32
    %add3A_21 = arith.addi %mul3A_2, %add3A_20 : i32
    %swap3A_22 = arith.index_cast %add3A_21 : i32 to index
    %swap3A_23 = tpu.vector_load %arg9[%swap3A_22] {strides = array<i32>} : memref<6672xi32, #tpu.memory_space<vmem>>, vector<16xi32>,
    tpu.vector_store %arg9[%swap3A_22], %broadcast_in_dim3A_4 {strides = array<i32>} : memref<6672xi32, #tpu.memory_space<vmem>>, vector<16xi32>,
    %add3A_24 = arith.constant 80 : i32
    %add3A_25 = arith.addi %mul3A_2, %add3A_24 : i32
    %swap3A_26 = arith.index_cast %add3A_25 : i32 to index
    %swap3A_27 = tpu.vector_load %arg9[%swap3A_26] {strides = array<i32>} : memref<6672xi32, #tpu.memory_space<vmem>>, vector<16xi32>,
    tpu.vector_store %arg9[%swap3A_26], %broadcast_in_dim3A_4 {strides = array<i32>} : memref<6672xi32, #tpu.memory_space<vmem>>, vector<16xi32>,
    %add3A_28 = arith.constant 96 : i32
    %add3A_29 = arith.addi %mul3A_2, %add3A_28 : i32
    %swap3A_30 = arith.index_cast %add3A_29 : i32 to index
    %swap3A_31 = tpu.vector_load %arg9[%swap3A_30] {strides = array<i32>} : memref<6672xi32, #tpu.memory_space<vmem>>, vector<16xi32>,
    tpu.vector_store %arg9[%swap3A_30], %broadcast_in_dim3A_4 {strides = array<i32>} : memref<6672xi32, #tpu.memory_space<vmem>>, vector<16xi32>,
    %add3A_32 = arith.constant 112 : i32
    %add3A_33 = arith.addi %mul3A_2, %add3A_32 : i32
    %swap3A_34 = arith.index_cast %add3A_33 : i32 to index
    %swap3A_35 = tpu.vector_load %arg9[%swap3A_34] {strides = array<i32>} : memref<6672xi32, #tpu.memory_space<vmem>>, vector<16xi32>,
    tpu.vector_store %arg9[%swap3A_34], %broadcast_in_dim3A_4 {strides = array<i32>} : memref<6672xi32, #tpu.memory_space<vmem>>, vector<16xi32>,
    %add3A_36 = arith.constant 128 : i32
    %add3A_37 = arith.addi %mul3A_2, %add3A_36 : i32
    %swap3A_38 = arith.index_cast %add3A_37 : i32 to index
    %swap3A_39 = tpu.vector_load %arg9[%swap3A_38] {strides = array<i32>} : memref<6672xi32, #tpu.memory_space<vmem>>, vector<16xi32>,
    tpu.vector_store %arg9[%swap3A_38], %broadcast_in_dim3A_4 {strides = array<i32>} : memref<6672xi32, #tpu.memory_space<vmem>>, vector<16xi32>,
    %add3A_40 = arith.constant 144 : i32
    %add3A_41 = arith.addi %mul3A_2, %add3A_40 : i32
    %swap3A_42 = arith.index_cast %add3A_41 : i32 to index
    %swap3A_43 = tpu.vector_load %arg9[%swap3A_42] {strides = array<i32>} : memref<6672xi32, #tpu.memory_space<vmem>>, vector<16xi32>,
    tpu.vector_store %arg9[%swap3A_42], %broadcast_in_dim3A_4 {strides = array<i32>} : memref<6672xi32, #tpu.memory_space<vmem>>, vector<16xi32>,
    %add3A_44 = arith.constant 160 : i32
    %add3A_45 = arith.addi %mul3A_2, %add3A_44 : i32
    %swap3A_46 = arith.index_cast %add3A_45 : i32 to index
    %swap3A_47 = tpu.vector_load %arg9[%swap3A_46] {strides = array<i32>} : memref<6672xi32, #tpu.memory_space<vmem>>, vector<16xi32>,
    tpu.vector_store %arg9[%swap3A_46], %broadcast_in_dim3A_4 {strides = array<i32>} : memref<6672xi32, #tpu.memory_space<vmem>>, vector<16xi32>,
    %add3A_48 = arith.constant 176 : i32
    %add3A_49 = arith.addi %mul3A_2, %add3A_48 : i32
    %swap3A_50 = arith.index_cast %add3A_49 : i32 to index
    %swap3A_51 = tpu.vector_load %arg9[%swap3A_50] {strides = array<i32>} : memref<6672xi32, #tpu.memory_space<vmem>>, vector<16xi32>,
    tpu.vector_store %arg9[%swap3A_50], %broadcast_in_dim3A_4 {strides = array<i32>} : memref<6672xi32, #tpu.memory_space<vmem>>, vector<16xi32>,
    %add3A_52 = arith.constant 192 : i32
    %add3A_53 = arith.addi %mul3A_2, %add3A_52 : i32
    %swap3A_54 = arith.index_cast %add3A_53 : i32 to index
    %swap3A_55 = tpu.vector_load %arg9[%swap3A_54] {strides = array<i32>} : memref<6672xi32, #tpu.memory_space<vmem>>, vector<16xi32>,
    tpu.vector_store %arg9[%swap3A_54], %broadcast_in_dim3A_4 {strides = array<i32>} : memref<6672xi32, #tpu.memory_space<vmem>>, vector<16xi32>,
    %scan3A = arith.constant 0 : i32
    %scan3A_56 = arith.constant 0 : i32
    %scan3A_57 = arith.constant 1024 : i32
    %scan3A_58 = arith.addi %scan3A_56, %scan3A_57 : i32
    %scan3A_59 = arith.constant 1 : i32
    %scan3A_60 = scf.for %scan3A_82 = %scan3A_56 to %scan3A_58 step %scan3A_59 iter_args(%scan3A_83 = %scan3A) -> (i32)  : i32 {
      %mul3A_84 = arith.constant 16 : i32
      %mul3A_85 = arith.muli %scan3A_82, %mul3A_84 : i32
      %get3A_86 = arith.index_cast %mul3A_85 : i32 to index
      %get3A_87 = tpu.vector_load %arg7[%get3A_86] {strides = array<i32>} : memref<16384xf32, #tpu.memory_space<vmem>>, vector<16xf32>,
      %le3A = vector.broadcast %squeeze3A : f32 to vector<16xf32>
      %le3A_88 = arith.cmpf ole, %get3A_87, %le3A : vector<16xf32>
      %mul3A_89 = arith.constant 16 : i32
      %mul3A_90 = arith.muli %scan3A_82, %mul3A_89 : i32
      %add3A_91 = vector.broadcast %mul3A_90 : i32 to vector<16xi32>
      %add3A_92 = arith.addi %iota3A, %add3A_91 : vector<16xi32>
      %swap3A_93 = arith.index_cast %scan3A_83 : i32 to index
      %swap3A_94 = tpu.vector_load %arg9[%swap3A_93] masked %le3A_88 {strides = array<i32>} : memref<6672xi32, #tpu.memory_space<vmem>>, vector<16xi32>, vector<16xi1>
      tpu.vector_store %arg9[%swap3A_93], %add3A_92 masked %le3A_88 {strides = array<i32>} : memref<6672xi32, #tpu.memory_space<vmem>>, vector<16xi32>, vector<16xi1>
      %jit3A = arith.constant 1 : i32
      %jit3A_95 = arith.constant 0 : i32
      %broadcast_in_dim3A_96 = vector.broadcast %jit3A : i32 to vector<16xi32>
      %broadcast_in_dim3A_97 = vector.broadcast %jit3A_95 : i32 to vector<16xi32>
      %select_n3A = arith.select %le3A_88, %broadcast_in_dim3A_96, %broadcast_in_dim3A_97 : vector<16xi1>, vector<16xi32>
      %reduce_sum3A = arith.constant true
      %reduce_sum3A_98 = vector.broadcast %reduce_sum3A : i1 to vector<16xi1>
      %reduce_sum3A_99 = tpu.scan <sum>, %select_n3A masked %reduce_sum3A_98 : vector<16xi32>, vector<16xi1> -> vector<16xi32>
      %reduce_sum3A_100 = vector.extract %reduce_sum3A_99[15] : i32 from vector<16xi32>
      %add3A_101 = arith.addi %scan3A_83, %reduce_sum3A_100 : i32
      scf.yield %add3A_101 : i32
    }
    %scan3A_61 = arith.constant 1024 : i32
    %eq3A = arith.constant 0 : i32
    %eq3A_62 = arith.cmpi eq, %add3A, %eq3A : i32
    %convert_element_type3A = arith.extui %eq3A_62 : i1 to i32
    %cond3A = arith.constant 0 : i32
    %cond3A_63 = arith.cmpi ne, %convert_element_type3A, %cond3A : i32
    scf.if %cond3A_63 {
      %add3A_82 = vector.broadcast %scan3A_60 : i32 to vector<16xi32>
      %add3A_83 = arith.addi %broadcast_in_dim3A_4, %add3A_82 : vector<16xi32>
      %swap3A_84 = arith.constant 0 : index
      %swap3A_85 = tpu.vector_load %arg12[%swap3A_84] {strides = array<i32>} : memref<16xi32, #tpu.memory_space<vmem>>, vector<16xi32>,
      tpu.vector_store %arg12[%swap3A_84], %add3A_83 {strides = array<i32>} : memref<16xi32, #tpu.memory_space<vmem>>, vector<16xi32>,
      "tpu.region"() ({
        %run_scoped3A = tpu.sem_alloc : memref<!tpu.dma_semaphore, #tpu.memory_space<semaphore_mem>>
        tpu.enqueue_dma source(%arg12 : memref<16xi32, #tpu.memory_space<vmem>>) target(%arg6 : memref<16xi32, #tpu.memory_space<hbm>>) target_semaphore(%run_scoped3A : memref<!tpu.dma_semaphore, #tpu.memory_space<semaphore_mem>>)
        tpu.wait_dma2 semaphore(%run_scoped3A : memref<!tpu.dma_semaphore, #tpu.memory_space<semaphore_mem>>) src(%arg12 : memref<16xi32, #tpu.memory_space<vmem>>) dst(%arg6 : memref<16xi32, #tpu.memory_space<hbm>>)
        tpu.yield
      }) : () -> ()
    } else {
    }
    %dma_start3A = tpu.memref_slice %arg9[%mul3A_2] : memref<6672xi32, #tpu.memory_space<vmem>> -> memref<104xi32, #tpu.memory_space<vmem>>
    %dma_start3A_64 = arith.constant 0 : i32
    %dma_start3A_65 = arith.constant 0 : i32
    %dma_start3A_66 = tpu.memref_slice %arg2[%dma_start3A_64, %dma_start3A_65] : memref<16384x256xf32, #tpu.memory_space<hbm>> -> memref<16384x256xf32, #tpu.memory_space<hbm>>
    tpu.enqueue_indirect_dma source(%dma_start3A_66 : memref<16384x256xf32, #tpu.memory_space<hbm>>) target(%arg10 : memref<104x256xf32, #tpu.memory_space<vmem>>) offsets(%dma_start3A : memref<104xi32, #tpu.memory_space<vmem>>) semaphore(%arg13 : memref<!tpu.dma_semaphore, #tpu.memory_space<semaphore_mem>>)
    %add3A_67 = arith.constant 104 : i32
    %add3A_68 = arith.addi %mul3A_2, %add3A_67 : i32
    %dma_start3A_69 = tpu.memref_slice %arg9[%add3A_68] : memref<6672xi32, #tpu.memory_space<vmem>> -> memref<104xi32, #tpu.memory_space<vmem>>
    %dma_start3A_70 = arith.constant 0 : i32
    %dma_start3A_71 = arith.constant 0 : i32
    %dma_start3A_72 = tpu.memref_slice %arg2[%dma_start3A_70, %dma_start3A_71] : memref<16384x256xf32, #tpu.memory_space<hbm>> -> memref<16384x256xf32, #tpu.memory_space<hbm>>
    tpu.enqueue_indirect_dma source(%dma_start3A_72 : memref<16384x256xf32, #tpu.memory_space<hbm>>) target(%arg11 : memref<104x256xf32, #tpu.memory_space<vmem>>) offsets(%dma_start3A_69 : memref<104xi32, #tpu.memory_space<vmem>>) semaphore(%arg14 : memref<!tpu.dma_semaphore, #tpu.memory_space<semaphore_mem>>)
    %dma_wait3A = tpu.memref_slice %arg9[%mul3A_2] : memref<6672xi32, #tpu.memory_space<vmem>> -> memref<104xi32, #tpu.memory_space<vmem>>
    %dma_wait3A_73 = arith.constant 0 : i32
    %dma_wait3A_74 = arith.constant 0 : i32
    %dma_wait3A_75 = tpu.memref_slice %arg2[%dma_wait3A_73, %dma_wait3A_74] : memref<16384x256xf32, #tpu.memory_space<hbm>> -> memref<16384x256xf32, #tpu.memory_space<hbm>>
    tpu.wait_indirect_dma semaphore(%arg13 : memref<!tpu.dma_semaphore, #tpu.memory_space<semaphore_mem>>) src(%dma_wait3A_75 : memref<16384x256xf32, #tpu.memory_space<hbm>>) dst(%arg10 : memref<104x256xf32, #tpu.memory_space<vmem>>)
    "tpu.region"() ({
      %run_scoped3A = tpu.sem_alloc : memref<!tpu.dma_semaphore, #tpu.memory_space<semaphore_mem>>
      %dma_start3A_82 = arith.constant 0 : i32
      %dma_start3A_83 = tpu.memref_slice %arg5[%mul3A_2, %dma_start3A_82] : memref<6656x256xf32, #tpu.memory_space<hbm>> -> memref<104x256xf32, #tpu.memory_space<hbm>>
      %dma_start3A_84 = arith.constant 0 : i32
      %dma_start3A_85 = tpu.memref_slice %arg5[%mul3A_2, %dma_start3A_84] : memref<6656x256xf32, #tpu.memory_space<hbm>> -> memref<104x256xf32, #tpu.memory_space<hbm>>
      tpu.enqueue_dma source(%arg10 : memref<104x256xf32, #tpu.memory_space<vmem>>) target(%dma_start3A_85 : memref<104x256xf32, #tpu.memory_space<hbm>>) target_semaphore(%run_scoped3A : memref<!tpu.dma_semaphore, #tpu.memory_space<semaphore_mem>>)
      %dma_wait3A_86 = arith.constant 0 : i32
      %dma_wait3A_87 = tpu.memref_slice %arg5[%mul3A_2, %dma_wait3A_86] : memref<6656x256xf32, #tpu.memory_space<hbm>> -> memref<104x256xf32, #tpu.memory_space<hbm>>
      %dma_wait3A_88 = arith.constant 0 : i32
      %dma_wait3A_89 = tpu.memref_slice %arg5[%mul3A_2, %dma_wait3A_88] : memref<6656x256xf32, #tpu.memory_space<hbm>> -> memref<104x256xf32, #tpu.memory_space<hbm>>
      tpu.wait_dma2 semaphore(%run_scoped3A : memref<!tpu.dma_semaphore, #tpu.memory_space<semaphore_mem>>) src(%arg10 : memref<104x256xf32, #tpu.memory_space<vmem>>) dst(%dma_wait3A_89 : memref<104x256xf32, #tpu.memory_space<hbm>>)
      tpu.yield
    }) : () -> ()
    %dma_wait3A_76 = tpu.memref_slice %arg9[%add3A_68] : memref<6672xi32, #tpu.memory_space<vmem>> -> memref<104xi32, #tpu.memory_space<vmem>>
    %dma_wait3A_77 = arith.constant 0 : i32
    %dma_wait3A_78 = arith.constant 0 : i32
    %dma_wait3A_79 = tpu.memref_slice %arg2[%dma_wait3A_77, %dma_wait3A_78] : memref<16384x256xf32, #tpu.memory_space<hbm>> -> memref<16384x256xf32, #tpu.memory_space<hbm>>
    tpu.wait_indirect_dma semaphore(%arg14 : memref<!tpu.dma_semaphore, #tpu.memory_space<semaphore_mem>>) src(%dma_wait3A_79 : memref<16384x256xf32, #tpu.memory_space<hbm>>) dst(%arg11 : memref<104x256xf32, #tpu.memory_space<vmem>>)
    %add3A_80 = arith.constant 104 : i32
    %add3A_81 = arith.addi %mul3A_2, %add3A_80 : i32
    "tpu.region"() ({
      %run_scoped3A = tpu.sem_alloc : memref<!tpu.dma_semaphore, #tpu.memory_space<semaphore_mem>>
      %dma_start3A_82 = arith.constant 0 : i32
      %dma_start3A_83 = tpu.memref_slice %arg5[%add3A_81, %dma_start3A_82] : memref<6656x256xf32, #tpu.memory_space<hbm>> -> memref<104x256xf32, #tpu.memory_space<hbm>>
      %dma_start3A_84 = arith.constant 0 : i32
      %dma_start3A_85 = tpu.memref_slice %arg5[%add3A_81, %dma_start3A_84] : memref<6656x256xf32, #tpu.memory_space<hbm>> -> memref<104x256xf32, #tpu.memory_space<hbm>>
      tpu.enqueue_dma source(%arg11 : memref<104x256xf32, #tpu.memory_space<vmem>>) target(%dma_start3A_85 : memref<104x256xf32, #tpu.memory_space<hbm>>) target_semaphore(%run_scoped3A : memref<!tpu.dma_semaphore, #tpu.memory_space<semaphore_mem>>)
      %dma_wait3A_86 = arith.constant 0 : i32
      %dma_wait3A_87 = tpu.memref_slice %arg5[%add3A_81, %dma_wait3A_86] : memref<6656x256xf32, #tpu.memory_space<hbm>> -> memref<104x256xf32, #tpu.memory_space<hbm>>
      %dma_wait3A_88 = arith.constant 0 : i32
      %dma_wait3A_89 = tpu.memref_slice %arg5[%add3A_81, %dma_wait3A_88] : memref<6656x256xf32, #tpu.memory_space<hbm>> -> memref<104x256xf32, #tpu.memory_space<hbm>>
      tpu.wait_dma2 semaphore(%run_scoped3A : memref<!tpu.dma_semaphore, #tpu.memory_space<semaphore_mem>>) src(%arg11 : memref<104x256xf32, #tpu.memory_space<vmem>>) dst(%dma_wait3A_89 : memref<104x256xf32, #tpu.memory_space<hbm>>)
      tpu.yield
    }) : () -> ()
    return
  }
}

module attributes {stable_mosaic.version = 14 : i64} {
  func.func @_cast_body(%arg0: i32, %arg1: memref<2048x256xf32, #tpu.memory_space<vmem>>, %arg2: memref<2048x256xbf16, #tpu.memory_space<vmem>>) attributes {dimension_semantics = [#tpu.dimension_semantics<arbitrary>], iteration_bounds = array<i64: 8>, scalar_prefetch = 0 : i64, scratch_operands = 0 : i64, tpu.core_type = #tpu.core_type<tc>, window_params = [{transform_indices = @transform_0, window_bounds = array<i64: 2048, 256>}, {transform_indices = @transform_1, window_bounds = array<i64: 2048, 256>}]} {
    %get3A = arith.constant 0 : index
    %get3A_0 = arith.constant 0 : index
    %get3A_1 = vector.load %arg1[%get3A, %get3A_0] : memref<2048x256xf32, #tpu.memory_space<vmem>>, vector<2048x256xf32>
    %convert_element_type3A = arith.truncf %get3A_1 : vector<2048x256xf32> to vector<2048x256xbf16>
    %swap3A = arith.constant 0 : index
    %swap3A_2 = arith.constant 0 : index
    %swap3A_3 = vector.load %arg2[%swap3A, %swap3A_2] : memref<2048x256xbf16, #tpu.memory_space<vmem>>, vector<2048x256xbf16>
    tpu.vector_store %arg2[%swap3A, %swap3A_2], %convert_element_type3A {strides = array<i32>} : memref<2048x256xbf16, #tpu.memory_space<vmem>>, vector<2048x256xbf16>,
    return
  }
  func.func @transform_0(%arg0: i32) -> (i32, i32) {
    %c0_i32 = arith.constant 0 : i32
    %c0_i32_0 = arith.constant 0 : i32
    return %arg0, %c0_i32 : i32, i32
  }
  func.func @transform_1(%arg0: i32) -> (i32, i32) {
    %c0_i32 = arith.constant 0 : i32
    %c0_i32_0 = arith.constant 0 : i32
    return %arg0, %c0_i32 : i32, i32
  }
}

module attributes {stable_mosaic.version = 14 : i64} {
  func.func @_thresh_body(%arg0: memref<128x128xf32, #tpu.memory_space<vmem>>, %arg1: memref<2xf32, #tpu.memory_space<smem>>) attributes {dimension_semantics = [], scalar_prefetch = 0 : i64, scratch_operands = 0 : i64, tpu.core_type = #tpu.core_type<tc>} {
    %get3A = arith.constant 0 : index
    %get3A_0 = arith.constant 0 : index
    %get3A_1 = vector.load %arg0[%get3A, %get3A_0] : memref<128x128xf32, #tpu.memory_space<vmem>>, vector<128x128xf32>
    %bitcast_convert_type3A = tpu.bitcast %get3A_1 : vector<128x128xf32> -> vector<128x128xi32>
    %scan3A = arith.constant 0 : i32
    %scan3A_2 = arith.constant 1065353216 : i32
    %scan3A_3 = arith.constant 0 : i32
    %scan3A_4 = arith.constant 1065353216 : i32
    %scan3A_5 = arith.constant 0 : i32
    %scan3A_6 = arith.constant 30 : i32
    %scan3A_7 = arith.addi %scan3A_5, %scan3A_6 : i32
    %scan3A_8 = arith.constant 1 : i32
    %scan3A_9:4 = scf.for %scan3A_15 = %scan3A_5 to %scan3A_7 step %scan3A_8 iter_args(%scan3A_16 = %scan3A, %scan3A_17 = %scan3A_2, %scan3A_18 = %scan3A_3, %scan3A_19 = %scan3A_4) -> (i32, i32, i32, i32)  : i32 {
      %add3A = arith.addi %scan3A_16, %scan3A_17 : i32
      %add3A_20 = arith.constant 1 : i32
      %add3A_21 = arith.addi %add3A, %add3A_20 : i32
      %shift_right_arithmetic3A = arith.constant 1 : i32
      %shift_right_arithmetic3A_22 = arith.shrsi %add3A_21, %shift_right_arithmetic3A : i32
      %ge3A = vector.broadcast %shift_right_arithmetic3A_22 : i32 to vector<128x128xi32>
      %ge3A_23 = arith.cmpi sge, %bitcast_convert_type3A, %ge3A : vector<128x128xi32>
      %convert_element_type3A = arith.extui %ge3A_23 : vector<128x128xi1> to vector<128x128xi32>
      %reduce_sum3A = vector.shape_cast %convert_element_type3A : vector<128x128xi32> to vector<1x128x128xi32>
      %reduce_sum3A_24 = arith.constant dense<0> : vector<1xi32>
      %reduce_sum3A_25 = vector.multi_reduction <add>, %reduce_sum3A, %reduce_sum3A_24 [1, 2] : vector<1x128x128xi32> to vector<1xi32>
      %reduce_sum3A_26 = vector.shape_cast %reduce_sum3A_25 : vector<1xi32> to vector<1x1x1xi32>
      %reduce_sum3A_27 = vector.extract %reduce_sum3A_26[0, 0, 0] : i32 from vector<1x1x1xi32>
      %ge3A_28 = arith.constant 6553 : i32
      %ge3A_29 = arith.cmpi sge, %reduce_sum3A_27, %ge3A_28 : i32
      %select_n3A = arith.select %ge3A_29, %shift_right_arithmetic3A_22, %scan3A_16 : i32
      %sub3A = arith.constant 1 : i32
      %sub3A_30 = arith.subi %shift_right_arithmetic3A_22, %sub3A : i32
      %select_n3A_31 = arith.select %ge3A_29, %scan3A_17, %sub3A_30 : i32
      %add3A_32 = arith.addi %scan3A_18, %scan3A_19 : i32
      %add3A_33 = arith.constant 1 : i32
      %add3A_34 = arith.addi %add3A_32, %add3A_33 : i32
      %shift_right_arithmetic3A_35 = arith.constant 1 : i32
      %shift_right_arithmetic3A_36 = arith.shrsi %add3A_34, %shift_right_arithmetic3A_35 : i32
      %ge3A_37 = vector.broadcast %shift_right_arithmetic3A_36 : i32 to vector<128x128xi32>
      %ge3A_38 = arith.cmpi sge, %bitcast_convert_type3A, %ge3A_37 : vector<128x128xi32>
      %convert_element_type3A_39 = arith.extui %ge3A_38 : vector<128x128xi1> to vector<128x128xi32>
      %reduce_sum3A_40 = vector.shape_cast %convert_element_type3A_39 : vector<128x128xi32> to vector<1x128x128xi32>
      %reduce_sum3A_41 = arith.constant dense<0> : vector<1xi32>
      %reduce_sum3A_42 = vector.multi_reduction <add>, %reduce_sum3A_40, %reduce_sum3A_41 [1, 2] : vector<1x128x128xi32> to vector<1xi32>
      %reduce_sum3A_43 = vector.shape_cast %reduce_sum3A_42 : vector<1xi32> to vector<1x1x1xi32>
      %reduce_sum3A_44 = vector.extract %reduce_sum3A_43[0, 0, 0] : i32 from vector<1x1x1xi32>
      %ge3A_45 = arith.constant 9832 : i32
      %ge3A_46 = arith.cmpi sge, %reduce_sum3A_44, %ge3A_45 : i32
      %select_n3A_47 = arith.select %ge3A_46, %shift_right_arithmetic3A_36, %scan3A_18 : i32
      %sub3A_48 = arith.constant 1 : i32
      %sub3A_49 = arith.subi %shift_right_arithmetic3A_36, %sub3A_48 : i32
      %select_n3A_50 = arith.select %ge3A_46, %scan3A_19, %sub3A_49 : i32
      scf.yield %select_n3A, %select_n3A_31, %select_n3A_47, %select_n3A_50 : i32, i32, i32, i32
    }
    %bitcast_convert_type3A_10 = arith.bitcast %scan3A_9#0 : i32 to f32
    %swap3A = arith.constant 0 : index
    %swap3A_11 = memref.load %arg1[%swap3A] : memref<2xf32, #tpu.memory_space<smem>>
    memref.store %bitcast_convert_type3A_10, %arg1[%swap3A] : memref<2xf32, #tpu.memory_space<smem>>
    %bitcast_convert_type3A_12 = arith.bitcast %scan3A_9#2 : i32 to f32
    %swap3A_13 = arith.constant 1 : index
    %swap3A_14 = memref.load %arg1[%swap3A_13] : memref<2xf32, #tpu.memory_space<smem>>
    memref.store %bitcast_convert_type3A_12, %arg1[%swap3A_13] : memref<2xf32, #tpu.memory_space<smem>>
    return
  }
}

module attributes {stable_mosaic.version = 14 : i64} {
  func.func @_cast_scale_body(%arg0: i32, %arg1: memref<832x256xf32, #tpu.memory_space<vmem>>, %arg2: memref<832x256xbf16, #tpu.memory_space<vmem>>) attributes {dimension_semantics = [#tpu.dimension_semantics<arbitrary>], iteration_bounds = array<i64: 8>, scalar_prefetch = 0 : i64, scratch_operands = 0 : i64, tpu.core_type = #tpu.core_type<tc>, window_params = [{transform_indices = @transform_0, window_bounds = array<i64: 832, 256>}, {transform_indices = @transform_1, window_bounds = array<i64: 832, 256>}]} {
    %get3A = arith.constant 0 : index
    %get3A_0 = arith.constant 0 : index
    %get3A_1 = vector.load %arg1[%get3A, %get3A_0] : memref<832x256xf32, #tpu.memory_space<vmem>>, vector<832x256xf32>
    %mul3A = arith.constant 14.4269505 : f32
    %mul3A_2 = vector.broadcast %mul3A : f32 to vector<832x256xf32>
    %mul3A_3 = arith.mulf %get3A_1, %mul3A_2 : vector<832x256xf32>
    %convert_element_type3A = arith.truncf %mul3A_3 : vector<832x256xf32> to vector<832x256xbf16>
    %swap3A = arith.constant 0 : index
    %swap3A_4 = arith.constant 0 : index
    %swap3A_5 = vector.load %arg2[%swap3A, %swap3A_4] : memref<832x256xbf16, #tpu.memory_space<vmem>>, vector<832x256xbf16>
    tpu.vector_store %arg2[%swap3A, %swap3A_4], %convert_element_type3A {strides = array<i32>} : memref<832x256xbf16, #tpu.memory_space<vmem>>, vector<832x256xbf16>,
    return
  }
  func.func @transform_0(%arg0: i32) -> (i32, i32) {
    %c0_i32 = arith.constant 0 : i32
    %c0_i32_0 = arith.constant 0 : i32
    return %arg0, %c0_i32 : i32, i32
  }
  func.func @transform_1(%arg0: i32) -> (i32, i32) {
    %c0_i32 = arith.constant 0 : i32
    %c0_i32_0 = arith.constant 0 : i32
    return %arg0, %c0_i32 : i32, i32
  }
}

module attributes {stable_mosaic.version = 14 : i64} {
  func.func @_main_body(%arg0: i32, %arg1: i32, %arg2: memref<2xf32, #tpu.memory_space<smem>>, %arg3: memref<1664x256xbf16, #tpu.memory_space<vmem>>, %arg4: memref<1024x256xbf16, #tpu.memory_space<vmem>>, %arg5: memref<1x1x1024xf32, #tpu.memory_space<vmem>>, %arg6: memref<1664x2xf32, #tpu.memory_space<vmem>>) attributes {dimension_semantics = [#tpu.dimension_semantics<arbitrary>, #tpu.dimension_semantics<arbitrary>], iteration_bounds = array<i64: 4, 16>, scalar_prefetch = 0 : i64, scratch_operands = 0 : i64, tpu.core_type = #tpu.core_type<tc>, window_params = [{transform_indices = @transform_0, window_bounds = array<i64: 2>}, {transform_indices = @transform_1, window_bounds = array<i64: 1664, 256>}, {transform_indices = @transform_2, window_bounds = array<i64: 1024, 256>}, {transform_indices = @transform_3, window_bounds = array<i64: 1, 1, 1024>}, {transform_indices = @transform_4, window_bounds = array<i64: 1664, 2>}]} {
    %get3A = arith.constant 0 : index
    %get3A_0 = memref.load %arg2[%get3A] : memref<2xf32, #tpu.memory_space<smem>>
    %get3A_1 = arith.constant 0 : index
    %get3A_2 = arith.constant 0 : index
    %get3A_3 = vector.load %arg3[%get3A_1, %get3A_2] : memref<1664x256xbf16, #tpu.memory_space<vmem>>, vector<1664x256xbf16>
    %get3A_4 = arith.constant 0 : index
    %get3A_5 = arith.constant 0 : index
    %get3A_6 = vector.load %arg4[%get3A_4, %get3A_5] : memref<1024x256xbf16, #tpu.memory_space<vmem>>, vector<1024x256xbf16>
    %dot_general3A = arith.constant dense<0.000000e+00> : vector<1664x1024xf32>
    %dot_general3A_7 = tpu.matmul %get3A_3, %get3A_6, %dot_general3A {dimension_numbers = #tpu.dot_dimension_numbers<[1], [1], [0], [0], [0, 0, 1, 0], [], []>, transpose_lhs_hint = false} : vector<1664x256xbf16>, vector<1024x256xbf16>, vector<1664x1024xf32> -> vector<1664x1024xf32>
    %sub3A = arith.constant 14.4269505 : f32
    %sub3A_8 = vector.broadcast %sub3A : f32 to vector<1664x1024xf32>
    %sub3A_9 = arith.subf %dot_general3A_7, %sub3A_8 : vector<1664x1024xf32>
    %exp23A = math.exp2 %sub3A_9 : vector<1664x1024xf32>
    %convert_element_type3A = arith.truncf %exp23A : vector<1664x1024xf32> to vector<1664x1024xbf16>
    %get3A_10 = arith.constant 0 : index
    %get3A_11 = arith.constant 0 : index
    %get3A_12 = arith.constant 0 : index
    %get3A_13 = vector.load %arg5[%get3A_10, %get3A_11, %get3A_12] : memref<1x1x1024xf32, #tpu.memory_space<vmem>>, vector<1x1x1024xf32>
    %get3A_14 = vector.shape_cast %get3A_13 : vector<1x1x1024xf32> to vector<1024xf32>
    %ge3A = vector.broadcast %get3A_0 : f32 to vector<1024xf32>
    %ge3A_15 = arith.cmpf oge, %get3A_14, %ge3A : vector<1024xf32>
    %convert_element_type3A_16 = arith.extui %ge3A_15 : vector<1024xi1> to vector<1024xi32>
    %convert_element_type3A_17 = arith.sitofp %convert_element_type3A_16 : vector<1024xi32> to vector<1024xf32>
    %broadcast_in_dim3A = vector.shape_cast %convert_element_type3A_17 : vector<1024xf32> to vector<1024x1xf32>
    %broadcast_in_dim3A_18 = arith.constant 1.000000e+00 : f32
    %broadcast_in_dim3A_19 = vector.broadcast %broadcast_in_dim3A_18 : f32 to vector<1024x1xf32>
    %concatenate3A = tpu.concatenate %broadcast_in_dim3A, %broadcast_in_dim3A_19 in 1 : vector<1024x1xf32>, vector<1024x1xf32> -> vector<1024x2xf32>
    %convert_element_type3A_20 = arith.truncf %concatenate3A : vector<1024x2xf32> to vector<1024x2xbf16>
    %dot_general3A_21 = arith.constant dense<0.000000e+00> : vector<1664x2xf32>
    %dot_general3A_22 = tpu.matmul %convert_element_type3A, %convert_element_type3A_20, %dot_general3A_21 {dimension_numbers = #tpu.dot_dimension_numbers<[1], [0], [0], [1], [0, 0, 1, 1], [], []>, transpose_lhs_hint = false} : vector<1664x1024xbf16>, vector<1024x2xbf16>, vector<1664x2xf32> -> vector<1664x2xf32>
    %eq3A = arith.constant 0 : i32
    %eq3A_23 = arith.cmpi eq, %arg1, %eq3A : i32
    %get3A_24 = arith.constant 0 : index
    %get3A_25 = arith.constant 0 : index
    %get3A_26 = vector.load %arg6[%get3A_24, %get3A_25] : memref<1664x2xf32, #tpu.memory_space<vmem>>, vector<1664x2xf32>
    %add3A = arith.addf %get3A_26, %dot_general3A_22 : vector<1664x2xf32>
    %select_n3A = arith.select %eq3A_23, %dot_general3A_22, %add3A : vector<1664x2xf32>
    %swap3A = arith.constant 0 : index
    %swap3A_27 = arith.constant 0 : index
    %swap3A_28 = vector.load %arg6[%swap3A, %swap3A_27] : memref<1664x2xf32, #tpu.memory_space<vmem>>, vector<1664x2xf32>
    tpu.vector_store %arg6[%swap3A, %swap3A_27], %select_n3A {strides = array<i32>} : memref<1664x2xf32, #tpu.memory_space<vmem>>, vector<1664x2xf32>,
    return
  }
  func.func @transform_0(%arg0: i32, %arg1: i32) -> i32 {
    %c0_i32 = arith.constant 0 : i32
    %c0_i32_0 = arith.constant 0 : i32
    return %c0_i32 : i32
  }
  func.func @transform_1(%arg0: i32, %arg1: i32) -> (i32, i32) {
    %c0_i32 = arith.constant 0 : i32
    %c0_i32_0 = arith.constant 0 : i32
    return %arg0, %c0_i32 : i32, i32
  }
  func.func @transform_2(%arg0: i32, %arg1: i32) -> (i32, i32) {
    %c0_i32 = arith.constant 0 : i32
    %c0_i32_0 = arith.constant 0 : i32
    return %arg1, %c0_i32 : i32, i32
  }
  func.func @transform_3(%arg0: i32, %arg1: i32) -> (i32, i32, i32) {
    %c0_i32 = arith.constant 0 : i32
    %c0_i32_0 = arith.constant 0 : i32
    %c0_i32_1 = arith.constant 0 : i32
    return %arg1, %c0_i32, %c0_i32_0 : i32, i32, i32
  }
  func.func @transform_4(%arg0: i32, %arg1: i32) -> (i32, i32) {
    %c0_i32 = arith.constant 0 : i32
    %c0_i32_0 = arith.constant 0 : i32
    return %arg0, %c0_i32 : i32, i32
  }
}

module attributes {stable_mosaic.version = 14 : i64} {
  func.func @_fin_body(%arg0: memref<16xi32, #tpu.memory_space<smem>>, %arg1: memref<6656x2xf32, #tpu.memory_space<vmem>>, %arg2: memref<6656x256xf32, #tpu.memory_space<vmem>>, %arg3: memref<1xf32, #tpu.memory_space<smem>>) attributes {dimension_semantics = [], scalar_prefetch = 0 : i64, scratch_operands = 0 : i64, tpu.core_type = #tpu.core_type<tc>} {
    %get3A = arith.constant 0 : index
    %get3A_0 = memref.load %arg0[%get3A] : memref<16xi32, #tpu.memory_space<smem>>
    %min3A = arith.constant 6656 : i32
    %min3A_1 = arith.minsi %get3A_0, %min3A : i32
    %get3A_2 = arith.constant 0 : index
    %get3A_3 = arith.constant 0 : index
    %get3A_4 = vector.load %arg2[%get3A_2, %get3A_3] : memref<6656x256xf32, #tpu.memory_space<vmem>>, vector<6656x256xf32>
    %mul3A = arith.mulf %get3A_4, %get3A_4 : vector<6656x256xf32>
    %reduce_sum3A = arith.constant dense<0.000000e+00> : vector<6656xf32>
    %reduce_sum3A_5 = vector.multi_reduction <add>, %mul3A, %reduce_sum3A [1] : vector<6656x256xf32> to vector<6656xf32>
    %broadcast_in_dim3A = vector.shape_cast %reduce_sum3A_5 : vector<6656xf32> to vector<6656x1xf32>
    %mul3A_6 = arith.constant 1.000000e+01 : f32
    %mul3A_7 = vector.broadcast %mul3A_6 : f32 to vector<6656x1xf32>
    %mul3A_8 = arith.mulf %broadcast_in_dim3A, %mul3A_7 : vector<6656x1xf32>
    %sub3A = arith.constant 1.000000e+01 : f32
    %sub3A_9 = vector.broadcast %sub3A : f32 to vector<6656x1xf32>
    %sub3A_10 = arith.subf %mul3A_8, %sub3A_9 : vector<6656x1xf32>
    %exp3A = math.exp %sub3A_10 : vector<6656x1xf32>
    %get3A_11 = arith.constant 0 : index
    %get3A_12 = arith.constant 0 : index
    %get3A_13 = vector.load %arg1[%get3A_11, %get3A_12] : memref<6656x2xf32, #tpu.memory_space<vmem>>, vector<6656x1xf32>
    %get3A_14 = arith.constant 0 : index
    %get3A_15 = arith.constant 1 : index
    %get3A_16 = vector.load %arg1[%get3A_14, %get3A_15] : memref<6656x2xf32, #tpu.memory_space<vmem>>, vector<6656x1xf32>
    %sub3A_17 = arith.subf %get3A_16, %exp3A : vector<6656x1xf32>
    %iota3A = tpu.iota {dimensions = array<i32: 0>} : vector<6656x1xi32>
    %lt3A = vector.broadcast %min3A_1 : i32 to vector<6656x1xi32>
    %lt3A_18 = arith.cmpi slt, %iota3A, %lt3A : vector<6656x1xi32>
    %convert_element_type3A = arith.extui %lt3A_18 : vector<6656x1xi1> to vector<6656x1xi32>
    %convert_element_type3A_19 = arith.sitofp %convert_element_type3A : vector<6656x1xi32> to vector<6656x1xf32>
    %log3A = math.log %sub3A_17 : vector<6656x1xf32>
    %log3A_20 = math.log %get3A_13 : vector<6656x1xf32>
    %sub3A_21 = arith.subf %log3A, %log3A_20 : vector<6656x1xf32>
    %mul3A_22 = arith.mulf %sub3A_21, %convert_element_type3A_19 : vector<6656x1xf32>
    %reduce_sum3A_23 = vector.shape_cast %mul3A_22 : vector<6656x1xf32> to vector<1x6656x1xf32>
    %reduce_sum3A_24 = arith.constant dense<0.000000e+00> : vector<1xf32>
    %reduce_sum3A_25 = vector.multi_reduction <add>, %reduce_sum3A_23, %reduce_sum3A_24 [1, 2] : vector<1x6656x1xf32> to vector<1xf32>
    %reduce_sum3A_26 = vector.shape_cast %reduce_sum3A_25 : vector<1xf32> to vector<1x1x1xf32>
    %reduce_sum3A_27 = vector.extract %reduce_sum3A_26[0, 0, 0] : f32 from vector<1x1x1xf32>
    %convert_element_type3A_28 = arith.sitofp %min3A_1 : i32 to f32
    %div3A = arith.divf %reduce_sum3A_27, %convert_element_type3A_28 : f32
    %swap3A = arith.constant 0 : index
    %swap3A_29 = memref.load %arg3[%swap3A] : memref<1xf32, #tpu.memory_space<smem>>
    memref.store %div3A, %arg3[%swap3A] : memref<1xf32, #tpu.memory_space<smem>>
    return
  }
}

</mosaic_0001>

<sc_bundles>
// kernel: kernel.8.cloned.1.call-start
scs
__scs_entry_jumppad:
0x0: {  	(pc) =	sbr.rel $0x88, $3  }
0x1: {  	(tag) =	ssettag $0x0;
	lr =	simm.s32 $0x1  }
0x2: {  	[smem:$0x3F9F] =	sst lr;
	_ =	strace $0xD0000000  }
0x3: {  	_ = 	snop  }
0x4: {  	_ = 	snop  }
0x5: {  	_ = 	snop  }
0x6: {  	_ = 	snop  }
0x7: {  	_ = 	snop  }
__scs_overlays_trampoline_lowered:
0x8: {  	[smem:$0x3FAE] =	sst s0  }
0x9: {  	[smem:$0x3FAF] =	sst s1  }
0xa: {  	[smem:$0x3FB0] =	sst s2  }
0xb: {  	[smem:$0x3FB1] =	sst s3  }
0xc: {  	[smem:$0x3FB2] =	sst s4  }
0xd: {  	[smem:$0x3FB3] =	sst s5  }
0xe: {  	[smem:$0x3FB4] =	sst s6  }
0xf: {  	[smem:$0x3FB5] =	sst s7  }
0x10: {  	[smem:$0x3FB6] =	sst s8  }
0x11: {  	[smem:$0x3FB7] =	sst s9;
	s0 =	simm.s32 @!p0 $0x0  }
0x12: {  	s1 =	sld [smem:$0x3F9D];
	s0 =	simm.s32 @p0 $0x1  }
0x13: {  	[smem:$0x3FB8] =	sst s0;
	s0 =	simm.s32 @!p1 $0x0  }
0x14: {  	s2 =	sld [smem:$0x3F9C];
	s0 =	simm.s32 @p1 $0x1  }
0x15: {  	[smem:$0x3FB9] =	sst s0;
	s0 =	simm.s32 @!p2 $0x0  }
0x16: {  	s3 =	sld [smem:$0x3FDB];
	s0 =	simm.s32 @p2 $0x1  }
0x17: {  	s4 =	simm.s32 $0x1BF5;
	[smem:$0x3FBB] =	sst s0  }
0x18: {  	s0 =	sld [smem:$0x3F9E];
	_ =	swait.ge [sflag:s4], $0x0  }
0x19: {  	s7 =	sld [smem:$0x3F9F]  }
0x1a: {  	s8 =	sadd.s32 $0xFFFFE003, lr  }
0x1b: {  	s9 =	sadd.s32 $0xFFFFFEF7, lr;
	s5 =	simm.s32 $0xFFFFFFFF;
	p2 =	slt.u32 s8, $0xFFFFF086  }
0x1c: {  	p1 =	slt.u32 s9, $0xF7A;
	s5 =	simm.s32 @!p2 $0x0  }
0x1d: {  	s5 =	simm.s32 @p1 $0x1;
	p0 =	seq.s32 s7, s2  }
0x1e: {  	s7 =	smul.u32 @!p0 $0xF7A, s2;
	p2 =	seq.s32 @!p0 s5, $0x0  }
0x1f: {  	s9 =	smul.u32 $0xF7A, s1;
	s8 =	simm.s32 @!p0 $0x1BF5;
	p2 =	por !p2, p0  }
0x20: {  	[sflag:s8] =	ssyncset.s32 @!p0 $0xFFFFF086;
	s6 =	sadd.s32 @!p0 s3, s7;
	s7 =	simm.s32 @!p0 $0x108  }
0x21: {  	s3 =	sadd.s32 s3, s9;
	s6 =	sadd.s32 @!p0 $0x88, s6;
	s7 =	simm.s32 @p2 $0x1082  }
0x22: {  	[simem:s7], [sflag:s8] =	dma.local @!p0 [hbm:s6], $0xF7A  }
0x23: {  	s9 =	sor.u32 $0xD0000000, s2;
	s6 =	simm.s32 $0x108;
	_ =	swait.ge @!p0 [sflag:s8], $0x0  }
0x24: {  	s3 =	sadd.s32 $0x88, s3;
	s6 =	simm.s32 @!p1 $0x1082;
	[sflag:s4] =	ssyncset.s32 $0xFFFFF086  }
0x25: {  	[simem:s6], [sflag:s4] =	dma.local [hbm:s3], $0xF7A  }
0x26: {  	[smem:$0x3F9F] =	sst s1;
	(tag) =	ssettag s2;
	_ =	strace s9  }
0x27: {  	s1 =	sld [smem:$0x3FAF]  }
0x28: {  	s2 =	sld [smem:$0x3FB0]  }
0x29: {  	s4 =	sld [smem:$0x3FB2]  }
0x2a: {  	p0 =	seq.s32 s5, $0x0;
	s5 =	sld [smem:$0x3FB3]  }
0x2b: {  	s6 =	sld [smem:$0x3FB4]  }
0x2c: {  	s7 =	sld [smem:$0x3FB5]  }
0x2d: {  	s3 =	simm.s32 $0x108;
	s8 =	sld [smem:$0x3FB6]  }
0x2e: {  	s3 =	simm.s32 @!p0 $0x1082;
	s9 =	sld [smem:$0x3FB7]  }
0x2f: {  	lr =	sadd.s32 s0, s3;
	s0 =	sld [smem:$0x3FAE]  }
0x30: {  	s3 =	sld [smem:$0x3FB1]  }
0x31: {  	[smem:$0x3FBA] =	sst s10  }
0x32: {  	s10 =	sld [smem:$0x3FB8];
	_ =	sdelay $0x3  }
0x33: {  	p0 =	seq.s32 s10, $0x1;
	s10 =	sld [smem:$0x3FBA];
	_ =	sdelay $0x3  }
0x34: {  	[smem:$0x3FBA] =	sst s10  }
0x35: {  	s10 =	sld [smem:$0x3FB9];
	_ =	sdelay $0x3  }
0x36: {  	p1 =	seq.s32 s10, $0x1;
	s10 =	sld [smem:$0x3FBA];
	_ =	sdelay $0x3  }
0x37: {  	[smem:$0x3FBA] =	sst s10  }
0x38: {  	s10 =	sld [smem:$0x3FBB]  }
0x39: {  	_ = 	snop;
	(pc) =	sbr.ind lr, $3  }
0x3a: {  	_ = 	snop  }
0x3b: {  	_ = 	snop  }
0x3c: {  	p2 =	seq.s32 s10, $0x1;
	s10 =	sld [smem:$0x3FBA]  }
0x3d: {  	_ =	shalt  }
0x3e: {  	_ =	shalt  }
0x3f: {  	_ =	shalt  }
0x40: {  	_ =	shalt  }
0x41: {  	_ =	shalt  }
0x42: {  	_ =	shalt  }
0x43: {  	_ =	shalt  }
0x44: {  	_ =	shalt  }
0x45: {  	_ =	shalt  }
0x46: {  	_ =	shalt  }
0x47: {  	_ =	shalt  }
0x48: {  	_ =	shalt  }
0x49: {  	_ =	shalt  }
0x4a: {  	_ =	shalt  }
0x4b: {  	_ =	shalt  }
0x4c: {  	_ =	shalt  }
0x4d: {  	_ =	shalt  }
0x4e: {  	_ =	shalt  }
0x4f: {  	_ =	shalt  }
0x50: {  	_ =	shalt  }
0x51: {  	_ =	shalt  }
0x52: {  	_ =	shalt  }
0x53: {  	_ =	shalt  }
0x54: {  	_ =	shalt  }
0x55: {  	_ =	shalt  }
0x56: {  	_ =	shalt  }
0x57: {  	_ =	shalt  }
0x58: {  	_ =	shalt  }
0x59: {  	_ =	shalt  }
0x5a: {  	_ =	shalt  }
0x5b: {  	_ =	shalt  }
0x5c: {  	_ =	shalt  }
0x5d: {  	_ =	shalt  }
0x5e: {  	_ =	shalt  }
0x5f: {  	_ =	shalt  }
0x60: {  	_ =	shalt  }
0x61: {  	_ =	shalt  }
0x62: {  	_ =	shalt  }
0x63: {  	_ =	shalt  }
0x64: {  	_ =	shalt  }
0x65: {  	_ =	shalt  }
0x66: {  	_ =	shalt  }
0x67: {  	_ =	shalt  }
0x68: {  	_ =	shalt  }
0x69: {  	_ =	shalt  }
0x6a: {  	_ =	shalt  }
0x6b: {  	_ =	shalt  }
0x6c: {  	_ =	shalt  }
0x6d: {  	_ =	shalt  }
0x6e: {  	_ =	shalt  }
0x6f: {  	_ =	shalt  }
0x70: {  	_ =	shalt  }
0x71: {  	_ =	shalt  }
0x72: {  	_ =	shalt  }
0x73: {  	_ =	shalt  }
0x74: {  	_ =	shalt  }
0x75: {  	_ =	shalt  }
0x76: {  	_ =	shalt  }
0x77: {  	_ =	shalt  }
0x78: {  	_ =	shalt  }
0x79: {  	_ =	shalt  }
0x7a: {  	_ =	shalt  }
0x7b: {  	_ =	shalt  }
0x7c: {  	_ =	shalt  }
0x7d: {  	_ =	shalt  }
0x7e: {  	_ =	shalt  }
0x7f: {  	_ =	shalt  }
0x80: {  	_ =	shalt  }
0x81: {  	_ =	shalt  }
0x82: {  	_ =	shalt  }
0x83: {  	_ =	shalt  }
0x84: {  	_ =	shalt  }
0x85: {  	_ =	shalt  }
0x86: {  	_ =	shalt  }
0x87: {  	_ =	shalt  }
.Lfunc_end0:
.L_simem_size_0:
called_computation_lowered:
.L_overlay_start_0:
0x88: {  	s2 =	sld [smem:$0x3FD9]  }
0x89: {  	s3 =	sld [smem:$0x3FFE];
	_ =	sdelay $0x1  }
0x8a: {  	s1 =	srdreg.scid  }
0x8b: {  	s0 =	sand.u32 $0x1, s1  }
0x8c: {  	s17 =	sshll.u32 s0, $0xA;
	s2 =	sadd.s32 s3, s2  }
0x8d: {  	s2 =	sadd.s32 s2, s17  }
0x8e: {  	[smem:$0x3FC6] =	sst s2  }
0x8f: {  	_ = 	snop  }
0x90: {  	s2 =	sld [smem:$0x3FC9]  }
0x91: {  	s18 =	sld [smem:$0x3FC8]  }
0x92: {  	s4 =	sld [smem:$0x3FD0];
	(tm) =	ssettm $0x1  }
0x93: {  	s5 =	sld [smem:$0x3FFB];
	_ =	sdelay $0x3  }
0x94: {  	_ =	strace s5  }
0x95: {  	s5 =	sld [smem:$0x3FFC];
	_ =	sdelay $0x3  }
0x96: {  	_ =	strace s5  }
0x97: {  	s5 =	sld [smem:$0x3FFD];
	_ =	sdelay $0x3  }
0x98: {  	_ =	strace s5  }
0x99: {  	_ =	strace $0x8FFFFFFF  }
0x9a: {  	s19 =	sld [smem:$0x3FDB];
	_ =	sdelay $0x1  }
0x9b: {  	s6 =	simm.s32 $_scs_section_size  }
0x9c: {  	s7 =	simm.s32 $_size__tile_overlayer_lowered;
	s8 =	simm.s32 $_tile_overlayer_lowered  }
0x9d: {  	s22 =	simm.s32 $0x1BFF;
	s21 =	sshll.u32 s8, $0x1;
	s5 =	sadd.s32 s6, s19  }
0x9e: {  	s9 =	simm.s32 $0x0;
	s20 =	sshll.u32 s7, $0x1;
	s7 =	sadd.s32 s21, s5  }
0x9f: {  	[timem:s9], [sflag:s22] =	dma.local [hbm:s7], s20  }
0xa0: {  	_ =	swait.ge [sflag:s22], s20  }
0xa1: {  	s6 =	ssub.s32 $0x0, s20;
	[sflag:s22] =	ssyncset.done $0x0  }
0xa2: {  	[sflag:s22] =	ssyncadd.s32 s6;
	_ =	sdelay $0x1  }
0xa3: {  	s23 =	simm.s32 $0x1B8B  }
0xa4: {  	_ =	swait.ge [sflag:s23], $0x1  }
0xa5: {  	[sflag:s23] =	ssyncset.done $0x0  }
0xa6: {  	s25 =	simm.s32 $0x1B8E;
	s24 =	sld [smem:$0x3FFE];
	[sflag:s23] =	ssyncadd.s32 $0xFFFFFFFF  }
0xa7: {  	s26 =	simm.s32 $execute0_lowered;
	[smem:$0x3FD2] =	sst s25  }
0xa8: {  	s7 =	sshll.u32 s26, $0x1;
	_ =	strace $0x80000046;
	[dreg:$0x1] =	wrdreg $0xFFFFFFFF  }
0xa9: {  	s28 =	simm.s32 $_size_execute0_lowered;
	s5 =	sadd.s32 s5, s7;
	[dreg:$0x0] =	wrdreg $0x0  }
0xaa: {  	s7 =	sshll.u32 s28, $0x1;
	[dreg:$0x2] =	wrdreg s5  }
0xab: {  	[dreg:$0x3] =	wrdreg s7  }
0xac: {  	[dreg:$0x4] =	wrdreg $0xC0  }
0xad: {  	_ =	task [dreg:s9], $0x5FFFF  }
0xae: {  	[dreg:$0x1] =	wrdreg $0xFFFFFFFF  }
0xaf: {  	[dreg:$0x0] =	wrdreg $0x60  }
0xb0: {  	[dreg:$0x2] =	wrdreg s2  }
0xb1: {  	[dreg:$0x3] =	wrdreg s18  }
0xb2: {  	[dreg:$0x4] =	wrdreg s4  }
0xb3: {  	[dreg:$0x5] =	wrdreg s24  }
0xb4: {  	[dreg:$0x6] =	wrdreg $0x9  }
0xb5: {  	_ =	task.clear_ibuf [dreg:s9], $0x7FFFF;
	_ =	strace $0x90000046  }
0xb6: {  	s29 =	simm.s32 $0x9;
	_ =	strace $0x80000048  }
0xb7: {  	_ =	swait.ge [sflag:s29], $0x1  }
0xb8: {  	[sflag:s29] =	ssyncadd.s32 $0xFFFFFFFF  }
0xb9: {  	_ =	strace $0x90000048  }
0xba: {  	_ =	sfence  }
0xbb: {  	s30 =	sld [smem:$0x0];
	_ =	sdelay $0x2  }
0xbc: {  	s31 =	sshll.u32 s1, $0xD;
	s1 =	sshrl.u32 s1, $0x2  }
0xbd: {  	s3 =	sand.u32 $0x4000, s31;
	s1 =	sadd.s32 s1, s30  }
0xbe: {  	s0 =	sor.u32 s3, s0;
	s1 =	sshll.u32 s1, $0x11  }
0xbf: {  	s0 =	sor.u32 s1, s0  }
0xc0: {  	s0 =	sadd.s32 $0x8F2B, s0  }
0xc1: {  	[sflag:s0] =	ssyncadd.remote.s32 $0x1  }
0xc2: {  	_ =	sfence.sel $0xFFFF  }
0xc3: {  	[dreg:$0x0] =	wrdreg $0xFFFFFFFF;
	(pc) =	sbr.abs _section_cstart, $3  }
0xc4: {  	[dreg:$0x1] =	wrdreg $0xFFFFFFFF  }
0xc5: {  	_ =	task.clear_ibuf [dreg:s9], $0x2FFFF;
	_ =	strace $0x9FFFFFFF  }
0xc6: {  	(tm) =	ssettm $0x7FFFFFFF  }
0xc7: {  	_ =	shalt  }
tec
execute0_lowered:
.L_overlay_start_1:
0x0: {  	(tag) =	ssettag $0x1  }
0x1: {  	s1 =	rddreg [dreg:$0x0];
	s0 =	srdreg.scid  }
0x2: {  	s3 =	stileid.u32;
	s2 =	rddreg [dreg:$0x3];
	s5 =	simm.s32 $0x0  }
0x3: {  	s12 =	simm.s32 $0x3;
	s14 =	simm.s32 $0x5B00;
	s28 =	simm.s32 $0xC300  }
0x4: {  	s29 =	simm.s32 $0xCB00;
	s30 =	simm.s32 $0xD300;
	s31 =	simm.s32 $0xDB00  }
0x5: {  	s13 =	simm.s32 $0x10300;
	s15 =	simm.s32 $0x10B00;
	s16 =	simm.s32 $0x11300  }
0x6: {  	s17 =	simm.s32 $0x11B00;
	s18 =	simm.s32 $0x12300;
	s19 =	simm.s32 $0x1  }
0x7: {  	s20 =	simm.s32 $0x2;
	s21 =	simm.s32 $0x0;
	s0 =	sand.u32 $0x1, s0  }
0x8: {  	s3 =	sshll.u32 s3, $0x1;
	[smem:$0x7FF] =	sst s5;
	s4 =	sadd.s32 $0x1800, s2  }
0x9: {  	s8 =	sadd.s32 $0x35800, s2;
	s2 =	simm.s32 $0xF300;
	s3 =	sor.u32 s0, s3  }
0xa: {  	_ =	strace $0x80000047;
	s0 =	ssub.s32 $0x2, s0;
	s6 =	smul.u32 $0xD0, s3  }
0xb: {  	s9 =	smul.u32 $0x1A00, s3;
	s26 =	sshrl.u32 s0, $0x1;
	p0 =	sne.s32 s3, $0x0  }
0xc: {  	v0 =	vlaneseq.u32;
	s3 =	simm.s32 $0xE300;
	s0 =	ssub.s32 s0, s26;
	s7 =	sadd.s32 $0x68, s6  }
0xd: {  	v1 =	vimm.s32 $0x0;
	vm0 =	vmmov $0xffff;
	v3 =	vshrl.u32 v0, $0x3;
	s9 =	sadd.s32 s4, s9;
	s11 =	smax.u32 s0, $0x1;
	s10 =	sshll.u32 s7, $0x5  }
0xe: {  	v2 =	vand.u32 $0x7, v0;
	v4 =	vor.u32 $0x8, v0;
	v3 =	vmul.u32 $0x8, v3;
	s0 =	simm.s32 $0xEB00;
	s10 =	sadd.s32 s4, s10;
	s4 =	simm.s32 $0xFB00  }
.LBB2_1:
0xf: {  	s22 =	rddreg [dreg:$0x1]  }
0x10: {  	[tilespmem:s5], [sflag:$0x3] =	stream.linear.gather [hbm4b:s22+s5], $0x4000, $0x38;
	[tilespmem:$0x12B80] =	vst v63  }
0x11: {  	_ =	swait.ge [sflag:s12], $0x4000  }
0x12: {  	[sflag:s12] =	ssyncset.done $0x0  }
0x13: {  	[sflag:s12] =	ssyncadd.s32 $0xFFFFC000  }
0x14: {  	s23 =	simm.s32 $0x4000;
	s26 =	rddreg [dreg:$0x2]  }
0x15: {  	[tilespmem:s23], [sflag:$0x3] =	stream.linear.gather [hbm4b:s26+s5], $0x80, $0x38;
	[tilespmem:$0x12B80] =	vst v63  }
0x16: {  	_ =	swait.ge [sflag:s12], $0x80  }
0x17: {  	[sflag:s12] =	ssyncset.done $0x0  }
0x18: {  	[sflag:s12] =	ssyncadd.s32 $0xFFFFFF80  }
0x19: {  	v5 =	vld [tilespmem:$0x4000];
	[tilespmem:s6+$0x4080] =	vst v1  }
0x1a: {  	[tilespmem:s6+$0x4090] =	vst v1  }
0x1b: {  	[tilespmem:s6+$0x40A0] =	vst v1  }
0x1c: {  	[tilespmem:s6+$0x40B0] =	vst v1  }
0x1d: {  	[tilespmem:s6+$0x40C0] =	vst v1  }
0x1e: {  	[tilespmem:s6+$0x40D0] =	vst v1  }
0x1f: {  	[tilespmem:s6+$0x40E0] =	vst v1  }
0x20: {  	[tilespmem:s6+$0x40F0] =	vst v1  }
0x21: {  	[tilespmem:s6+$0x4100] =	vst v1  }
0x22: {  	[tilespmem:s6+$0x4110] =	vst v1  }
0x23: {  	[tilespmem:s6+$0x4120] =	vst v1  }
0x24: {  	[tilespmem:s6+$0x4130] =	vst v1  }
0x25: {  	[tilespmem:s6+$0x4140] =	vst v1  }
0x26: {  	v6 =	vld [tilespmem:s5+$0x0];
	_ =	sdelay $0x2  }
0x27: {  	v5 =	vbroadcast v5, $0x1;
	_ =	sdelay $0x1  }
0x28: {  	vm1 =	vle.f32 v6, v5  }
0x29: {  	v6 =	vsel vm1, $0x1, v1  }
0x2a: {  	(xrf0) =	vadd.scan.msk.s32 $0xffff, v6;
	_ =	sdelay $0x5  }
0x2b: {  	v7, _, _ =	vpop (xrf0)  }
0x2c: {  	v6 =	vor.u32 s5, v0;
	(v2sf) =	vpush v7, $0xF  }
0x2d: {  	s22 =	simm.s32 $0x10;
	[tilespmem:s5+$0x4080] =	vst.msk vm1, v6  }
0x2e: {  	s24 =	simm.s32 $0x20;
	s25 =	simm.s32 $0x10;
	s23 =	simm.s32 $0x0;
	v6 =	vld [tilespmem:s22+$0x0]  }
.LBB2_2:
0x2f: {  	p1 =	sne.s32 s24, $0x3FF0;
	_ =	sdelay $0x3  }
0x30: {  	vm1 =	vle.f32 v6, v5  }
0x31: {  	v6 =	vsel vm1, $0x1, v1  }
0x32: {  	(xrf0) =	vadd.scan.msk.s32 $0xffff, v6;
	_ =	sdelay $0x4  }
.Ltmp0:
0x33: {  	(pc) =	sbr.rel @p1 .LBB2_2-.Ltmp0, $4  }
0x34: {  	v6, _, _ =	vpop (xrf0);
	s26 =	spop (v2sf)  }
0x35: {  	v7 =	vor.u32 s22, v0;
	s22 =	smov.u32 s24;
	(v2sf) =	vpush v6, $0xF;
	s23 =	sadd.s32 s23, s26  }
0x36: {  	s25 =	sadd.s32 $0x10, s25;
	[tilespmem:s23+$0x4080] =	vst.msk vm1, v7  }
0x37: {  	s24 =	sadd.s32 $0x10, s24;
	v6 =	vld [tilespmem:s25+$0x0]  }
0x38: {  	_ =	sdelay $0x3  }
0x39: {  	vm1 =	vle.f32 v6, v5  }
0x3a: {  	v5 =	vsel vm1, $0x1, v1  }
0x3b: {  	(xrf0) =	vadd.scan.msk.s32 $0xffff, v5;
	_ =	sdelay $0x5  }
0x3c: {  	v5, _, _ =	vpop (xrf0)  }
0x3d: {  	(v2sf) =	vpush v5, $0xF;
	_ =	sdelay $0xd  }
0x3e: {  	s24 =	spop (v2sf)  }
0x3f: {  	s23 =	sadd.s32 s23, s24;
	s26 =	spop (v2sf)  }
0x40: {  	v5 =	vor.u32 s22, v0;
	s22 =	sadd.s32 s23, s26  }
0x41: {  	[tilespmem:s23+$0x4080] =	vst.msk vm1, v5;
	v5 =	vmov @!p0 s22  }
0x42: {  	s23 =	simm.s32 @!p0 $0x12B00;
	s22 =	simm.s32 @!p0 $0x0;
	[tilespmem:$0x12B00] =	vst @!p0 v5  }
0x43: {  	[hbm4b:s8+s22] =	stream.linear.scatter @!p0 [tilespmem:s23], [sflag:$0x3], $0x80, $0x38;
	[tilespmem:$0x12B80] =	vst v63  }
0x44: {  	s22 =	simm.s32 @!p0 $0x3  }
0x45: {  	_ =	swait.ge @!p0 [sflag:s22], $0x80  }
0x46: {  	[sflag:s22] =	ssyncset.done @!p0 $0x0  }
0x47: {  	[sflag:s22] =	ssyncadd.s32 @!p0 $0xFFFFFF80  }
0x48: {  	v5 =	vld [tilespmem:s6+$0x4080];
	_ =	sdelay $0x4  }
0x49: {  	v6 =	vshll.u32 v5, $0x1  }
0x4a: {  	v5 =	vand.u32 $0x7, v5;
	v6 =	vand.u32 $0xFFFFFFF0, v6  }
0x4b: {  	v5 =	vor.u32 v5, v6  }
0x4c: {  	v6 =	vperm.xlane v5, v2;
	_ =	sdelay $0x1  }
0x4d: {  	v5 =	vperm.xlane v5, v4;
	v6 =	vadd.s32 v3, v6;
	_ =	sdelay $0x1  }
0x4e: {  	v5 =	vadd.s32 v3, v5;
	_ =	sdelay $0x2  }
0x4f: {  	[tilespmem:s14], [sflag:$0x1] =	stream.indirect_vreg.gather [hbm4b:s1+s5], $0x80, v6, vm0, $0xb8;
	[tilespmem:$0x12B80] =	vst v63  }
0x50: {  	s23 =	simm.s32 $0x6300  }
0x51: {  	[tilespmem:s23], [sflag:$0x1] =	stream.indirect_vreg.gather [hbm4b:s1+s5], $0x80, v5, vm0, $0xb8;
	[tilespmem:$0x12B80] =	vst v63  }
0x52: {  	v5 =	vld [tilespmem:s6+$0x4090];
	_ =	sdelay $0x4  }
0x53: {  	v6 =	vshll.u32 v5, $0x1  }
0x54: {  	v5 =	vand.u32 $0x7, v5;
	v6 =	vand.u32 $0xFFFFFFF0, v6  }
0x55: {  	v5 =	vor.u32 v5, v6  }
0x56: {  	v6 =	vperm.xlane v5, v2;
	_ =	sdelay $0x1  }
0x57: {  	v5 =	vperm.xlane v5, v4;
	v6 =	vadd.s32 v3, v6;
	_ =	sdelay $0x1  }
0x58: {  	v5 =	vadd.s32 v3, v5;
	_ =	sdelay $0x1  }
0x59: {  	s24 =	simm.s32 $0x6B00  }
0x5a: {  	[tilespmem:s24], [sflag:$0x1] =	stream.indirect_vreg.gather [hbm4b:s1+s5], $0x80, v6, vm0, $0xb8;
	[tilespmem:$0x12B80] =	vst v63  }
0x5b: {  	s25 =	simm.s32 $0x7300  }
0x5c: {  	[tilespmem:s25], [sflag:$0x1] =	stream.indirect_vreg.gather [hbm4b:s1+s5], $0x80, v5, vm0, $0xb8;
	[tilespmem:$0x12B80] =	vst v63  }
0x5d: {  	v5 =	vld [tilespmem:s6+$0x40A0];
	_ =	sdelay $0x4  }
0x5e: {  	v6 =	vshll.u32 v5, $0x1  }
0x5f: {  	v5 =	vand.u32 $0x7, v5;
	v6 =	vand.u32 $0xFFFFFFF0, v6  }
0x60: {  	v5 =	vor.u32 v5, v6  }
0x61: {  	v6 =	vperm.xlane v5, v2;
	_ =	sdelay $0x1  }
0x62: {  	v5 =	vperm.xlane v5, v4;
	v6 =	vadd.s32 v3, v6;
	_ =	sdelay $0x1  }
0x63: {  	v5 =	vadd.s32 v3, v5;
	_ =	sdelay $0x1  }
0x64: {  	s26 =	simm.s32 $0x7B00  }
0x65: {  	[tilespmem:s26], [sflag:$0x1] =	stream.indirect_vreg.gather [hbm4b:s1+s5], $0x80, v6, vm0, $0xb8;
	[tilespmem:$0x12B80] =	vst v63  }
0x66: {  	s23 =	simm.s32 $0x8300  }
0x67: {  	[tilespmem:s23], [sflag:$0x1] =	stream.indirect_vreg.gather [hbm4b:s1+s5], $0x80, v5, vm0, $0xb8;
	[tilespmem:$0x12B80] =	vst v63  }
0x68: {  	v5 =	vld [tilespmem:s6+$0x40B0];
	_ =	sdelay $0x4  }
0x69: {  	v6 =	vshll.u32 v5, $0x1  }
0x6a: {  	v5 =	vand.u32 $0x7, v5;
	v6 =	vand.u32 $0xFFFFFFF0, v6  }
0x6b: {  	v5 =	vor.u32 v5, v6  }
0x6c: {  	v6 =	vperm.xlane v5, v2;
	_ =	sdelay $0x1  }
0x6d: {  	v5 =	vperm.xlane v5, v4;
	v6 =	vadd.s32 v3, v6;
	_ =	sdelay $0x1  }
0x6e: {  	v5 =	vadd.s32 v3, v5;
	_ =	sdelay $0x1  }
0x6f: {  	s24 =	simm.s32 $0x8B00  }
0x70: {  	[tilespmem:s24], [sflag:$0x1] =	stream.indirect_vreg.gather [hbm4b:s1+s5], $0x80, v6, vm0, $0xb8;
	[tilespmem:$0x12B80] =	vst v63  }
0x71: {  	s25 =	simm.s32 $0x9300  }
0x72: {  	[tilespmem:s25], [sflag:$0x1] =	stream.indirect_vreg.gather [hbm4b:s1+s5], $0x80, v5, vm0, $0xb8;
	[tilespmem:$0x12B80] =	vst v63  }
0x73: {  	v5 =	vld [tilespmem:s6+$0x40C0];
	_ =	sdelay $0x4  }
0x74: {  	v6 =	vshll.u32 v5, $0x1  }
0x75: {  	v5 =	vand.u32 $0x7, v5;
	v6 =	vand.u32 $0xFFFFFFF0, v6  }
0x76: {  	v5 =	vor.u32 v5, v6  }
0x77: {  	v6 =	vperm.xlane v5, v2;
	_ =	sdelay $0x1  }
0x78: {  	v5 =	vperm.xlane v5, v4;
	v6 =	vadd.s32 v3, v6;
	_ =	sdelay $0x1  }
0x79: {  	v5 =	vadd.s32 v3, v5;
	_ =	sdelay $0x1  }
0x7a: {  	s26 =	simm.s32 $0x9B00  }
0x7b: {  	[tilespmem:s26], [sflag:$0x1] =	stream.indirect_vreg.gather [hbm4b:s1+s5], $0x80, v6, vm0, $0xb8;
	[tilespmem:$0x12B80] =	vst v63  }
0x7c: {  	s23 =	simm.s32 $0xA300  }
0x7d: {  	[tilespmem:s23], [sflag:$0x1] =	stream.indirect_vreg.gather [hbm4b:s1+s5], $0x80, v5, vm0, $0xb8;
	[tilespmem:$0x12B80] =	vst v63  }
0x7e: {  	v5 =	vld [tilespmem:s6+$0x40D0];
	_ =	sdelay $0x4  }
0x7f: {  	v6 =	vshll.u32 v5, $0x1  }
0x80: {  	v5 =	vand.u32 $0x7, v5;
	v6 =	vand.u32 $0xFFFFFFF0, v6  }
0x81: {  	v5 =	vor.u32 v5, v6  }
0x82: {  	v6 =	vperm.xlane v5, v2;
	_ =	sdelay $0x1  }
0x83: {  	v5 =	vperm.xlane v5, v4;
	v6 =	vadd.s32 v3, v6;
	_ =	sdelay $0x1  }
0x84: {  	v5 =	vadd.s32 v3, v5;
	_ =	sdelay $0x1  }
0x85: {  	s24 =	simm.s32 $0xAB00  }
0x86: {  	[tilespmem:s24], [sflag:$0x1] =	stream.indirect_vreg.gather [hbm4b:s1+s5], $0x80, v6, vm0, $0xb8;
	[tilespmem:$0x12B80] =	vst v63  }
0x87: {  	s25 =	simm.s32 $0xB300  }
0x88: {  	[tilespmem:s25], [sflag:$0x1] =	stream.indirect_vreg.gather [hbm4b:s1+s5], $0x80, v5, vm0, $0xb8;
	[tilespmem:$0x12B80] =	vst v63  }
0x89: {  	v5 =	vld.msk [tilespmem:s6+$0x40E0], $0xff;
	_ =	sdelay $0x4  }
0x8a: {  	v6 =	vshll.u32 v5, $0x1  }
0x8b: {  	v5 =	vand.u32 $0x7, v5;
	v6 =	vand.u32 $0xFFFFFFF0, v6  }
0x8c: {  	v5 =	vor.u32 v5, v6  }
0x8d: {  	v5 =	vperm.xlane v5, v2;
	_ =	sdelay $0x1  }
0x8e: {  	v5 =	vadd.s32 v3, v5;
	_ =	sdelay $0x3  }
0x8f: {  	s26 =	simm.s32 $0xBB00  }
0x90: {  	[tilespmem:s26], [sflag:$0x1] =	stream.indirect_vreg.gather [hbm4b:s1+s5], $0x80, v5, vm0, $0xb8;
	[tilespmem:$0x12B80] =	vst v63  }
0x91: {  	v5 =	vld [tilespmem:s7+$0x4080];
	_ =	sdelay $0x4  }
0x92: {  	v6 =	vshll.u32 v5, $0x1  }
0x93: {  	v5 =	vand.u32 $0x7, v5;
	v6 =	vand.u32 $0xFFFFFFF0, v6  }
0x94: {  	v5 =	vor.u32 v5, v6  }
0x95: {  	v6 =	vperm.xlane v5, v2;
	_ =	sdelay $0x1  }
0x96: {  	v5 =	vperm.xlane v5, v4;
	v6 =	vadd.s32 v3, v6;
	_ =	sdelay $0x1  }
0x97: {  	v5 =	vadd.s32 v3, v5;
	_ =	sdelay $0x2  }
0x98: {  	[tilespmem:s28], [sflag:$0x2] =	stream.indirect_vreg.gather [hbm4b:s1+s5], $0x80, v6, vm0, $0xb8;
	[tilespmem:$0x12B80] =	vst v63  }
0x99: {  	_ = 	snop  }
0x9a: {  	[tilespmem:s29], [sflag:$0x2] =	stream.indirect_vreg.gather [hbm4b:s1+s5], $0x80, v5, vm0, $0xb8;
	[tilespmem:$0x12B80] =	vst v63  }
0x9b: {  	v5 =	vld [tilespmem:s7+$0x4090];
	_ =	sdelay $0x4  }
0x9c: {  	v6 =	vshll.u32 v5, $0x1  }
0x9d: {  	v5 =	vand.u32 $0x7, v5;
	v6 =	vand.u32 $0xFFFFFFF0, v6  }
0x9e: {  	v5 =	vor.u32 v5, v6  }
0x9f: {  	v6 =	vperm.xlane v5, v2;
	_ =	sdelay $0x1  }
0xa0: {  	v5 =	vperm.xlane v5, v4;
	v6 =	vadd.s32 v3, v6;
	_ =	sdelay $0x1  }
0xa1: {  	v5 =	vadd.s32 v3, v5;
	_ =	sdelay $0x2  }
0xa2: {  	[tilespmem:s30], [sflag:$0x2] =	stream.indirect_vreg.gather [hbm4b:s1+s5], $0x80, v6, vm0, $0xb8;
	[tilespmem:$0x12B80] =	vst v63  }
0xa3: {  	_ = 	snop  }
0xa4: {  	[tilespmem:s31], [sflag:$0x2] =	stream.indirect_vreg.gather [hbm4b:s1+s5], $0x80, v5, vm0, $0xb8;
	[tilespmem:$0x12B80] =	vst v63  }
0xa5: {  	v5 =	vld [tilespmem:s7+$0x40A0];
	_ =	sdelay $0x4  }
0xa6: {  	v6 =	vshll.u32 v5, $0x1  }
0xa7: {  	v5 =	vand.u32 $0x7, v5;
	v6 =	vand.u32 $0xFFFFFFF0, v6  }
0xa8: {  	v5 =	vor.u32 v5, v6  }
0xa9: {  	v6 =	vperm.xlane v5, v2;
	_ =	sdelay $0x1  }
0xaa: {  	v5 =	vperm.xlane v5, v4;
	v6 =	vadd.s32 v3, v6;
	_ =	sdelay $0x1  }
0xab: {  	v5 =	vadd.s32 v3, v5;
	_ =	sdelay $0x2  }
0xac: {  	[tilespmem:s3], [sflag:$0x2] =	stream.indirect_vreg.gather [hbm4b:s1+s5], $0x80, v6, vm0, $0xb8;
	[tilespmem:$0x12B80] =	vst v63  }
0xad: {  	_ = 	snop  }
0xae: {  	[tilespmem:s0], [sflag:$0x2] =	stream.indirect_vreg.gather [hbm4b:s1+s5], $0x80, v5, vm0, $0xb8;
	[tilespmem:$0x12B80] =	vst v63  }
0xaf: {  	v5 =	vld [tilespmem:s7+$0x40B0];
	_ =	sdelay $0x4  }
0xb0: {  	v6 =	vshll.u32 v5, $0x1  }
0xb1: {  	v5 =	vand.u32 $0x7, v5;
	v6 =	vand.u32 $0xFFFFFFF0, v6  }
0xb2: {  	v5 =	vor.u32 v5, v6  }
0xb3: {  	v6 =	vperm.xlane v5, v2;
	_ =	sdelay $0x1  }
0xb4: {  	v5 =	vperm.xlane v5, v4;
	v6 =	vadd.s32 v3, v6;
	_ =	sdelay $0x1  }
0xb5: {  	v5 =	vadd.s32 v3, v5;
	_ =	sdelay $0x2  }
0xb6: {  	[tilespmem:s2], [sflag:$0x2] =	stream.indirect_vreg.gather [hbm4b:s1+s5], $0x80, v6, vm0, $0xb8;
	[tilespmem:$0x12B80] =	vst v63  }
0xb7: {  	_ = 	snop  }
0xb8: {  	[tilespmem:s4], [sflag:$0x2] =	stream.indirect_vreg.gather [hbm4b:s1+s5], $0x80, v5, vm0, $0xb8;
	[tilespmem:$0x12B80] =	vst v63  }
0xb9: {  	v5 =	vld [tilespmem:s7+$0x40C0];
	_ =	sdelay $0x4  }
0xba: {  	v6 =	vshll.u32 v5, $0x1  }
0xbb: {  	v5 =	vand.u32 $0x7, v5;
	v6 =	vand.u32 $0xFFFFFFF0, v6  }
0xbc: {  	v5 =	vor.u32 v5, v6  }
0xbd: {  	v6 =	vperm.xlane v5, v2;
	_ =	sdelay $0x1  }
0xbe: {  	v5 =	vperm.xlane v5, v4;
	v6 =	vadd.s32 v3, v6;
	_ =	sdelay $0x1  }
0xbf: {  	v5 =	vadd.s32 v3, v5;
	_ =	sdelay $0x2  }
0xc0: {  	[tilespmem:s13], [sflag:$0x2] =	stream.indirect_vreg.gather [hbm4b:s1+s5], $0x80, v6, vm0, $0xb8;
	[tilespmem:$0x12B80] =	vst v63  }
0xc1: {  	_ = 	snop  }
0xc2: {  	[tilespmem:s15], [sflag:$0x2] =	stream.indirect_vreg.gather [hbm4b:s1+s5], $0x80, v5, vm0, $0xb8;
	[tilespmem:$0x12B80] =	vst v63  }
0xc3: {  	v5 =	vld [tilespmem:s7+$0x40D0];
	_ =	sdelay $0x4  }
0xc4: {  	v6 =	vshll.u32 v5, $0x1  }
0xc5: {  	v5 =	vand.u32 $0x7, v5;
	v6 =	vand.u32 $0xFFFFFFF0, v6  }
0xc6: {  	v5 =	vor.u32 v5, v6  }
0xc7: {  	v6 =	vperm.xlane v5, v2;
	_ =	sdelay $0x1  }
0xc8: {  	v5 =	vperm.xlane v5, v4;
	v6 =	vadd.s32 v3, v6;
	_ =	sdelay $0x1  }
0xc9: {  	v5 =	vadd.s32 v3, v5;
	_ =	sdelay $0x2  }
0xca: {  	[tilespmem:s16], [sflag:$0x2] =	stream.indirect_vreg.gather [hbm4b:s1+s5], $0x80, v6, vm0, $0xb8;
	[tilespmem:$0x12B80] =	vst v63  }
0xcb: {  	_ = 	snop  }
0xcc: {  	[tilespmem:s17], [sflag:$0x2] =	stream.indirect_vreg.gather [hbm4b:s1+s5], $0x80, v5, vm0, $0xb8;
	[tilespmem:$0x12B80] =	vst v63  }
0xcd: {  	v5 =	vld.msk [tilespmem:s6+$0x4148], $0xff;
	_ =	sdelay $0x4  }
0xce: {  	v6 =	vshll.u32 v5, $0x1  }
0xcf: {  	v5 =	vand.u32 $0x7, v5;
	v6 =	vand.u32 $0xFFFFFFF0, v6  }
0xd0: {  	v5 =	vor.u32 v5, v6  }
0xd1: {  	v5 =	vperm.xlane v5, v2;
	_ =	sdelay $0x1  }
0xd2: {  	v5 =	vadd.s32 v3, v5;
	_ =	sdelay $0x4  }
0xd3: {  	[tilespmem:s18], [sflag:$0x2] =	stream.indirect_vreg.gather [hbm4b:s1+s5], $0x80, v5, vm0, $0xb8;
	[tilespmem:$0x12B80] =	vst v63  }
0xd4: {  	_ =	swait.ge [sflag:s19], $0x6800  }
0xd5: {  	[sflag:s19] =	ssyncset.done $0x0  }
0xd6: {  	[sflag:s19] =	ssyncadd.s32 $0xFFFF9800  }
0xd7: {  	[hbm4b:s9+s5] =	stream.linear.scatter [tilespmem:s14], [sflag:$0x3], $0x6800, $0x38;
	[tilespmem:$0x12B80] =	vst v63  }
0xd8: {  	_ =	swait.ge [sflag:s12], $0x6800  }
0xd9: {  	[sflag:s12] =	ssyncset.done $0x0  }
0xda: {  	[sflag:s12] =	ssyncadd.s32 $0xFFFF9800  }
0xdb: {  	s21 =	sadd.s32 $0x1, s21;
	_ =	swait.ge [sflag:s20], $0x6800  }
0xdc: {  	p1 =	sne.s32 s21, s11;
	[sflag:s20] =	ssyncset.done $0x0  }
.Ltmp1:
0xdd: {  	[sflag:s20] =	ssyncadd.s32 $0xFFFF9800;
	(pc) =	sbr.rel @p1 .LBB2_1-.Ltmp1, $4  }
0xde: {  	[hbm4b:s10+s5] =	stream.linear.scatter [tilespmem:s28], [sflag:$0x3], $0x6800, $0x38;
	[tilespmem:$0x12B80] =	vst v63  }
0xdf: {  	_ =	swait.ge [sflag:s12], $0x6800  }
0xe0: {  	[sflag:s12] =	ssyncset.done $0x0  }
0xe1: {  	[sflag:s12] =	ssyncadd.s32 $0xFFFF9800  }
0xe2: {  	_ =	sfence.sel $0x180000  }
0xe3: {  	[bflag:$0x0] =	sbarrier.arrive $0xFFFF  }
0xe4: {  	_ =	strace $0x90000047  }
0xe5: {  	s0 =	stileid.u32;
	[bflag:$0x2] =	sbarrier.arrive $0xFFFF  }
0xe6: {  	p0 =	sne.s32 s0, $0x0;
	s0 =	rddreg [dreg:$0x4]  }
0xe7: {  	s0 =	sadd.s32 @!p0 $0x100000, s0  }
0xe8: {  	[sflag:s0] =	ssyncadd.tile.s32 @!p0 $0x1;
	_ =	shalt  }
.Lfunc_end2:
_tile_overlayer_lowered:
.L_overlay_start_2:
0xe9: {  	(tag) =	ssettag $0x2  }
0xea: {  	s0 =	rddreg [dreg:$0x0];
	s2 =	stileid.u32  }
0xeb: {  	s1 =	rddreg [dreg:$0x1];
	p0 =	sne.s32 s2, $0x0  }
0xec: {  	s3 =	rddreg [dreg:$0x2];
	[bflag:$0x3] =	sbarrier.arrive $0xFFFF;
	s2 =	simm.s32 @!p0 $0x1C03  }
0xed: {  	[timem:s3], [sflag:s2] =	dma.local @!p0 [hbm:s0], s1  }
0xee: {  	s0 =	simm.s32 @!p0 $0x3  }
0xef: {  	_ =	swait.ge @!p0 [sflag:s0], s1  }
0xf0: {  	s1 =	ssub.s32 @!p0 $0x0, s1;
	[sflag:s0] =	ssyncset.done @!p0 $0x0  }
0xf1: {  	[sflag:s0] =	ssyncadd.s32 @!p0 s1  }
0xf2: {  	[bflag:$0x3] =	sbarrier.arrive $0xFFFF  }
0xf3: {  	_ =	shalt  }

</sc_bundles>
